<compile_context>
chip_gen: v7x
topology: tpu7x:2x2x1
jax: 0.10.2.dev20260603
libtpu: 0.0.44.dev20260713+nightly
codegen_flags: <defaults>
</compile_context>

<pallas_src>
import functools

import jax
import jax.numpy as jnp
import numpy as np
from jax import lax
from jax.experimental import pallas as pl
from jax.experimental.pallas import tpu as pltpu
from jax.experimental.pallas import tpu_sc as plsc

NC = 2
NS = 16
NW = NC * NS
CH = 128
NBUF = 3


def _sc_scatter_add(e, edge_index, zeros_nh, n_nodes):
    n_edges, h = e.shape
    n_chunks = n_edges // CH
    n_base = n_chunks // NW
    n_extra = n_chunks - n_base * NW
    r_lo = (n_nodes // NS) // 8 * 8
    r_hi = n_nodes - r_lo * (NS - 1)

    mesh = plsc.VectorSubcoreMesh(
        core_axis_name="c", subcore_axis_name="s", num_cores=NC, num_subcores=NS
    )

    @functools.partial(
        pl.kernel,
        out_type=jax.ShapeDtypeStruct((NC, n_nodes, h), jnp.float32),
        mesh=mesh,
        scratch_types=[
            pltpu.VMEM_SHARED((n_nodes, h), jnp.float32),
            pltpu.VMEM((NBUF, CH, h), jnp.float32),
            pltpu.VMEM((NBUF, 2, CH), jnp.int32),
            pltpu.SemaphoreType.DMA,
            pltpu.SemaphoreType.DMA,
            pltpu.SemaphoreType.DMA,
        ],
    )
    def sc_kernel(e_hbm, ei_hbm, zeros_hbm, out_hbm, acc_sh, bbuf, ibuf,
                  lsem, isem, ssem):
        c = lax.axis_index("c")
        s = lax.axis_index("s")
        w = c * NS + s
        n_my = n_base + jnp.where(w < n_extra, 1, 0)

        def start_load(k, buf):
            cid = w + NW * k
            pltpu.async_copy(
                e_hbm.at[pl.ds(cid * CH, CH)], bbuf.at[buf], lsem
            )
            pltpu.async_copy(
                ei_hbm.at[pl.ds(0, 2), pl.ds(cid * CH, CH)], ibuf.at[buf], isem
            )

        def wait_load(buf):
            pltpu.make_async_copy(
                e_hbm.at[pl.ds(0, CH)], bbuf.at[buf], lsem
            ).wait()
            pltpu.make_async_copy(
                ei_hbm.at[pl.ds(0, 2), pl.ds(0, CH)], ibuf.at[buf], isem
            ).wait()

        def wait_scatter_one():
            pltpu.make_async_copy(
                e_hbm.at[pl.ds(0, CH)], bbuf.at[0], ssem
            ).wait()

        start_load(0, 0)

        @pl.when(s < NS - 1)
        def _():
            pltpu.sync_copy(
                zeros_hbm.at[pl.ds(s * r_lo, r_lo)],
                acc_sh.at[pl.ds(s * r_lo, r_lo)],
            )

        @pl.when(s == NS - 1)
        def _():
            pltpu.sync_copy(
                zeros_hbm.at[pl.ds((NS - 1) * r_lo, r_hi)],
                acc_sh.at[pl.ds((NS - 1) * r_lo, r_hi)],
            )

        plsc.subcore_barrier()

        def body(k, _):
            buf = lax.rem(k, NBUF)
            wait_load(buf)

            @pl.when(k >= 2)
            def _():
                wait_scatter_one()

            @pl.when(k + 1 < n_my)
            def _():
                start_load(k + 1, lax.rem(k + 1, NBUF))

            pltpu.async_copy(
                bbuf.at[buf], acc_sh.at[ibuf.at[buf, 1]], ssem, add=True
            )
            return 0

        lax.fori_loop(0, n_my, body, 0)
        wait_scatter_one()
        wait_scatter_one()
        plsc.subcore_barrier()

        @pl.when(s < NS - 1)
        def _():
            pltpu.sync_copy(
                acc_sh.at[pl.ds(s * r_lo, r_lo)],
                out_hbm.at[c, pl.ds(s * r_lo, r_lo)],
            )

        @pl.when(s == NS - 1)
        def _():
            pltpu.sync_copy(
                acc_sh.at[pl.ds((NS - 1) * r_lo, r_hi)],
                out_hbm.at[c, pl.ds((NS - 1) * r_lo, r_hi)],
            )

    return sc_kernel(e, edge_index, zeros_nh)


def _tc_pre(v, W_v, b0, block_rows=2000):
    n, h = v.shape

    def body(v_ref, wv_ref, b0_ref, o_ref):
        o_ref[...] = (
            jnp.dot(v_ref[...], wv_ref[...], preferred_element_type=jnp.float32)
            + b0_ref[...]
        )

    full = lambda i: (0, 0)
    return pl.pallas_call(
        body,
        grid=(n // block_rows,),
        in_specs=[
            pl.BlockSpec((block_rows, h), lambda i: (i, 0)),
            pl.BlockSpec((h, h), full),
            pl.BlockSpec((1, h), full),
        ],
        out_specs=pl.BlockSpec((block_rows, h), lambda i: (i, 0)),
        out_shape=jax.ShapeDtypeStruct((n, h), jnp.float32),
    )(v, W_v, b0.reshape(1, h))


def _tc_mlp(partials, t, W_e, W1, b1, gamma, beta, block_rows=2000):
    n, h = t.shape
    grid = (n // block_rows,)

    def body(p_ref, t_ref, we_ref, w1_ref, b1_ref, g_ref, bt_ref, o_ref):
        agg = p_ref[0] + p_ref[1]
        x = (
            jnp.dot(agg, we_ref[...], preferred_element_type=jnp.float32)
            + t_ref[...]
        )
        x = jnp.maximum(x, 0.0)
        x = jnp.dot(x, w1_ref[...], preferred_element_type=jnp.float32) + b1_ref[...]
        x = jnp.maximum(x, 0.0)
        mu = jnp.mean(x, axis=-1, keepdims=True)
        xc = x - mu
        var = jnp.mean(xc * xc, axis=-1, keepdims=True)
        o_ref[...] = xc * jax.lax.rsqrt(var + 1e-5) * g_ref[...] + bt_ref[...]

    full = lambda i: (0, 0)
    return pl.pallas_call(
        body,
        grid=grid,
        in_specs=[
            pl.BlockSpec((NC, block_rows, h), lambda i: (0, i, 0)),
            pl.BlockSpec((block_rows, h), lambda i: (i, 0)),
            pl.BlockSpec((h, h), full),
            pl.BlockSpec((h, h), full),
            pl.BlockSpec((1, h), full),
            pl.BlockSpec((1, h), full),
            pl.BlockSpec((1, h), full),
        ],
        out_specs=pl.BlockSpec((block_rows, h), lambda i: (i, 0)),
        out_shape=jax.ShapeDtypeStruct((n, h), jnp.float32),
    )(partials, t, W_e, W1, b1.reshape(1, h),
      gamma.reshape(1, h), beta.reshape(1, h))


@jax.jit
def kernel(v, edge_index, e, W_e, W_v, b0, W1, b1, gamma, beta):
    n, h = v.shape
    ei = (edge_index if edge_index.dtype == jnp.int32
          else edge_index.astype(jnp.int32))
    zeros_nh = jnp.zeros((n, h), jnp.float32)
    partials = _sc_scatter_add(e, ei, zeros_nh, n)
    t = _tc_pre(v, W_v, b0)
    return _tc_mlp(partials, t, W_e, W1, b1, gamma, beta)

# --- scband reference (transcript-rebuilt; emitter-appended) ---
"""Pipeline reference for scband-node-model-53455162966482 (READ-ONLY COPY).

The authoritative reference and input builder live on the scoring server;
editing this copy changes nothing except your own understanding.
"""

import jax, jax.numpy as jnp
import numpy as np

H = 128
N_NODES = 10000
N_EDGES = 320000


def setup_inputs(seed: int = 0) -> dict:
    key = jax.random.key(seed)
    ks = jax.random.split(key, 10)
    v = jax.random.normal(ks[0], (N_NODES, H), dtype=jnp.float32)
    edge_index = jax.random.randint(ks[1], (2, N_EDGES), 0, N_NODES, dtype=jnp.int64)
    e = jax.random.normal(ks[2], (N_EDGES, H), dtype=jnp.float32)
    # MergeNDenseBlock params: merge layer = one Linear per input (aggregated edges, nodes)
    # summed, then (n_dense-1) further dense layers; LayerNorm at end.
    s = 1.0 / np.sqrt(H)
    W_e = jax.random.uniform(ks[3], (H, H), dtype=jnp.float32, minval=-s, maxval=s)
    W_v = jax.random.uniform(ks[4], (H, H), dtype=jnp.float32, minval=-s, maxval=s)
    b0 = jax.random.uniform(ks[5], (H,), dtype=jnp.float32, minval=-s, maxval=s)
    W1 = jax.random.uniform(ks[6], (H, H), dtype=jnp.float32, minval=-s, maxval=s)
    b1 = jax.random.uniform(ks[7], (H,), dtype=jnp.float32, minval=-s, maxval=s)
    gamma = jnp.ones((H,), dtype=jnp.float32)
    beta = jnp.zeros((H,), dtype=jnp.float32)
    return {"v": v, "edge_index": edge_index, "e": e, "W_e": W_e, "W_v": W_v,
            "b0": b0, "W1": W1, "b1": b1, "gamma": gamma, "beta": beta}


def _layer_norm(x, gamma, beta, eps=1e-5):
    mu = jnp.mean(x, axis=-1, keepdims=True)
    var = jnp.var(x, axis=-1, keepdims=True)
    return (x - mu) / jnp.sqrt(var + eps) * gamma + beta


def reference(v, edge_index, e, W_e, W_v, b0, W1, b1, gamma, beta):
    receiver = edge_index[1]
    # scatter_add(e, receiver, dim=0, dim_size=N_NODES)
    agg = jax.ops.segment_sum(e, receiver, num_segments=v.shape[0])
    # MergeNDenseBlock: merge two inputs via separate linears, sum, activate
    h = agg @ W_e + v @ W_v + b0
    h = jax.nn.relu(h)
    # second dense layer (n_dense=2), activate_last=True
    h = h @ W1 + b1
    h = jax.nn.relu(h)
    # layer_norm=True
    h = _layer_norm(h, gamma, beta)
    return h

if __name__ == "__main__":
    import jax
    _d = setup_inputs()
    print(jax.jit(kernel)(*tuple(_d.values())))

</pallas_src>

<mosaic_0001>
#map = affine_map<(d0, d1) -> (0, 0)>
#map1 = affine_map<(d0, d1) -> (0, 0, 0)>
module attributes {stable_mosaic.version = 14 : i64} {
  func.func @sc_kernel(%arg0: i32, %arg1: i32, %arg2: memref<320000x128xf32, #tpu.memory_space<hbm>>, %arg3: memref<2x320000xi32, #tpu.memory_space<hbm>>, %arg4: memref<10000x128xf32, #tpu.memory_space<hbm>>, %arg5: memref<2x10000x128xf32, #tpu.memory_space<hbm>>, %arg6: memref<10000x128xf32, #tpu.memory_space<vmem_shared>>, %arg7: memref<3x128x128xf32, #tpu.memory_space<vmem>>, %arg8: memref<3x2x128xi32, #tpu.memory_space<vmem>>, %arg9: memref<!tpu.dma_semaphore, #tpu.memory_space<semaphore_mem>>, %arg10: memref<!tpu.dma_semaphore, #tpu.memory_space<semaphore_mem>>, %arg11: memref<!tpu.dma_semaphore, #tpu.memory_space<semaphore_mem>>) attributes {dimension_semantics = [#tpu.dimension_semantics<core_parallel>, #tpu.dimension_semantics<subcore_parallel>], iteration_bounds = array<i64: 2, 16>, scalar_prefetch = 0 : i64, scratch_operands = 6 : i64, tpu.core_type = #tpu.core_type<sc_vector_subcore>, window_params = [{transform_indices = #map}, {transform_indices = #map}, {transform_indices = #map}, {transform_indices = #map1}]} {
    %mul3A = arith.constant 16 : i32
    %mul3A_0 = arith.muli %arg0, %mul3A : i32
    %add3A = arith.addi %mul3A_0, %arg1 : i32
    %lt3A = arith.constant 4 : i32
    %lt3A_1 = arith.cmpi slt, %add3A, %lt3A : i32
    %jit3A = arith.constant 1 : i32
    %jit3A_2 = arith.constant 0 : i32
    %select_n3A = arith.select %lt3A_1, %jit3A, %jit3A_2 : i32
    %add3A_3 = arith.constant 78 : i32
    %add3A_4 = arith.addi %add3A_3, %select_n3A : i32
    %add3A_5 = arith.constant 0 : i32
    %add3A_6 = arith.addi %add3A, %add3A_5 : i32
    %mul3A_7 = arith.constant 128 : i32
    %mul3A_8 = arith.muli %add3A_6, %mul3A_7 : i32
    %dma_start3A = arith.constant 0 : i32
    %dma_start3A_9 = arith.constant 0 : i32
    %dma_start3A_10 = arith.constant 0 : i32
    %dma_start3A_11 = tpu.memref_slice %arg7[%dma_start3A, %dma_start3A_9, %dma_start3A_10] : memref<3x128x128xf32, #tpu.memory_space<vmem>> -> memref<1x128x128xf32, #tpu.memory_space<vmem>>
    %dma_start3A_12 = tpu.memref_squeeze %dma_start3A_11 : memref<1x128x128xf32, #tpu.memory_space<vmem>> -> memref<128x128xf32, #tpu.memory_space<vmem>>
    %dma_start3A_13 = arith.constant 0 : i32
    %dma_start3A_14 = tpu.memref_slice %arg2[%mul3A_8, %dma_start3A_13] : memref<320000x128xf32, #tpu.memory_space<hbm>> -> memref<128x128xf32, #tpu.memory_space<hbm>>
    %dma_start3A_15 = arith.constant 0 : i32
    %dma_start3A_16 = arith.constant 0 : i32
    %dma_start3A_17 = tpu.memref_slice %arg7[%dma_start3A, %dma_start3A_15, %dma_start3A_16] : memref<3x128x128xf32, #tpu.memory_space<vmem>> -> memref<1x128x128xf32, #tpu.memory_space<vmem>>
    %dma_start3A_18 = tpu.memref_squeeze %dma_start3A_17 : memref<1x128x128xf32, #tpu.memory_space<vmem>> -> memref<128x128xf32, #tpu.memory_space<vmem>>
    %dma_start3A_19 = arith.constant 0 : i32
    %dma_start3A_20 = tpu.memref_slice %arg2[%mul3A_8, %dma_start3A_19] : memref<320000x128xf32, #tpu.memory_space<hbm>> -> memref<128x128xf32, #tpu.memory_space<hbm>>
    tpu.enqueue_dma source(%dma_start3A_20 : memref<128x128xf32, #tpu.memory_space<hbm>>) target(%dma_start3A_18 : memref<128x128xf32, #tpu.memory_space<vmem>>) target_semaphore(%arg9 : memref<!tpu.dma_semaphore, #tpu.memory_space<semaphore_mem>>)
    %mul3A_21 = arith.constant 128 : i32
    %mul3A_22 = arith.muli %add3A_6, %mul3A_21 : i32
    %dma_start3A_23 = arith.constant 0 : i32
    %dma_start3A_24 = arith.constant 0 : i32
    %dma_start3A_25 = arith.constant 0 : i32
    %dma_start3A_26 = tpu.memref_slice %arg8[%dma_start3A_23, %dma_start3A_24, %dma_start3A_25] : memref<3x2x128xi32, #tpu.memory_space<vmem>> -> memref<1x2x128xi32, #tpu.memory_space<vmem>>
    %dma_start3A_27 = tpu.memref_squeeze %dma_start3A_26 : memref<1x2x128xi32, #tpu.memory_space<vmem>> -> memref<2x128xi32, #tpu.memory_space<vmem>>
    %dma_start3A_28 = arith.constant 0 : i32
    %dma_start3A_29 = tpu.memref_slice %arg3[%dma_start3A_28, %mul3A_22] : memref<2x320000xi32, #tpu.memory_space<hbm>> -> memref<2x128xi32, #tpu.memory_space<hbm>>
    %dma_start3A_30 = arith.constant 0 : i32
    %dma_start3A_31 = arith.constant 0 : i32
    %dma_start3A_32 = tpu.memref_slice %arg8[%dma_start3A_23, %dma_start3A_30, %dma_start3A_31] : memref<3x2x128xi32, #tpu.memory_space<vmem>> -> memref<1x2x128xi32, #tpu.memory_space<vmem>>
    %dma_start3A_33 = tpu.memref_squeeze %dma_start3A_32 : memref<1x2x128xi32, #tpu.memory_space<vmem>> -> memref<2x128xi32, #tpu.memory_space<vmem>>
    %dma_start3A_34 = arith.constant 0 : i32
    %dma_start3A_35 = tpu.memref_slice %arg3[%dma_start3A_34, %mul3A_22] : memref<2x320000xi32, #tpu.memory_space<hbm>> -> memref<2x128xi32, #tpu.memory_space<hbm>>
    tpu.enqueue_dma source(%dma_start3A_35 : memref<2x128xi32, #tpu.memory_space<hbm>>) target(%dma_start3A_33 : memref<2x128xi32, #tpu.memory_space<vmem>>) target_semaphore(%arg10 : memref<!tpu.dma_semaphore, #tpu.memory_space<semaphore_mem>>)
    %lt3A_36 = arith.constant 15 : i32
    %lt3A_37 = arith.cmpi slt, %arg1, %lt3A_36 : i32
    %convert_element_type3A = arith.extui %lt3A_37 : i1 to i32
    %cond3A = arith.constant 0 : i32
    %cond3A_38 = arith.cmpi ne, %convert_element_type3A, %cond3A : i32
    scf.if %cond3A_38 {
      %mul3A_94 = arith.constant 624 : i32
      %mul3A_95 = arith.muli %arg1, %mul3A_94 : i32
      %mul3A_96 = arith.constant 624 : i32
      %mul3A_97 = arith.muli %arg1, %mul3A_96 : i32
      "tpu.region"() ({
        %run_scoped3A = tpu.sem_alloc : memref<!tpu.dma_semaphore, #tpu.memory_space<semaphore_mem>>
        %dma_start3A_98 = arith.constant 0 : i32
        %dma_start3A_99 = tpu.memref_slice %arg6[%mul3A_97, %dma_start3A_98] : memref<10000x128xf32, #tpu.memory_space<vmem_shared>> -> memref<624x128xf32, #tpu.memory_space<vmem_shared>>
        %dma_start3A_100 = arith.constant 0 : i32
        %dma_start3A_101 = tpu.memref_slice %arg4[%mul3A_95, %dma_start3A_100] : memref<10000x128xf32, #tpu.memory_space<hbm>> -> memref<624x128xf32, #tpu.memory_space<hbm>>
        tpu.enqueue_dma source(%dma_start3A_101 : memref<624x128xf32, #tpu.memory_space<hbm>>) target(%dma_start3A_99 : memref<624x128xf32, #tpu.memory_space<vmem_shared>>) target_semaphore(%run_scoped3A : memref<!tpu.dma_semaphore, #tpu.memory_space<semaphore_mem>>)
        %dma_wait3A_102 = arith.constant 0 : i32
        %dma_wait3A_103 = tpu.memref_slice %arg6[%mul3A_97, %dma_wait3A_102] : memref<10000x128xf32, #tpu.memory_space<vmem_shared>> -> memref<624x128xf32, #tpu.memory_space<vmem_shared>>
        %dma_wait3A_104 = arith.constant 0 : i32
        %dma_wait3A_105 = tpu.memref_slice %arg4[%mul3A_95, %dma_wait3A_104] : memref<10000x128xf32, #tpu.memory_space<hbm>> -> memref<624x128xf32, #tpu.memory_space<hbm>>
        tpu.wait_dma2 semaphore(%run_scoped3A : memref<!tpu.dma_semaphore, #tpu.memory_space<semaphore_mem>>) src(%dma_wait3A_105 : memref<624x128xf32, #tpu.memory_space<hbm>>) dst(%dma_wait3A_103 : memref<624x128xf32, #tpu.memory_space<vmem_shared>>)
        tpu.yield
      }) : () -> ()
    } else {
    }
    %eq3A = arith.constant 15 : i32
    %eq3A_39 = arith.cmpi eq, %arg1, %eq3A : i32
    %convert_element_type3A_40 = arith.extui %eq3A_39 : i1 to i32
    %cond3A_41 = arith.constant 0 : i32
    %cond3A_42 = arith.cmpi ne, %convert_element_type3A_40, %cond3A_41 : i32
    scf.if %cond3A_42 {
      "tpu.region"() ({
        %run_scoped3A = tpu.sem_alloc : memref<!tpu.dma_semaphore, #tpu.memory_space<semaphore_mem>>
        %dma_start3A_94 = arith.constant 9360 : i32
        %dma_start3A_95 = arith.constant 0 : i32
        %dma_start3A_96 = tpu.memref_slice %arg6[%dma_start3A_94, %dma_start3A_95] : memref<10000x128xf32, #tpu.memory_space<vmem_shared>> -> memref<640x128xf32, #tpu.memory_space<vmem_shared>>
        %dma_start3A_97 = arith.constant 9360 : i32
        %dma_start3A_98 = arith.constant 0 : i32
        %dma_start3A_99 = tpu.memref_slice %arg4[%dma_start3A_97, %dma_start3A_98] : memref<10000x128xf32, #tpu.memory_space<hbm>> -> memref<640x128xf32, #tpu.memory_space<hbm>>
        tpu.enqueue_dma source(%dma_start3A_99 : memref<640x128xf32, #tpu.memory_space<hbm>>) target(%dma_start3A_96 : memref<640x128xf32, #tpu.memory_space<vmem_shared>>) target_semaphore(%run_scoped3A : memref<!tpu.dma_semaphore, #tpu.memory_space<semaphore_mem>>)
        %dma_wait3A_100 = arith.constant 9360 : i32
        %dma_wait3A_101 = arith.constant 0 : i32
        %dma_wait3A_102 = tpu.memref_slice %arg6[%dma_wait3A_100, %dma_wait3A_101] : memref<10000x128xf32, #tpu.memory_space<vmem_shared>> -> memref<640x128xf32, #tpu.memory_space<vmem_shared>>
        %dma_wait3A_103 = arith.constant 9360 : i32
        %dma_wait3A_104 = arith.constant 0 : i32
        %dma_wait3A_105 = tpu.memref_slice %arg4[%dma_wait3A_103, %dma_wait3A_104] : memref<10000x128xf32, #tpu.memory_space<hbm>> -> memref<640x128xf32, #tpu.memory_space<hbm>>
        tpu.wait_dma2 semaphore(%run_scoped3A : memref<!tpu.dma_semaphore, #tpu.memory_space<semaphore_mem>>) src(%dma_wait3A_105 : memref<640x128xf32, #tpu.memory_space<hbm>>) dst(%dma_wait3A_102 : memref<640x128xf32, #tpu.memory_space<vmem_shared>>)
        tpu.yield
      }) : () -> ()
    } else {
    }
    %barrier3A = arith.constant 0 : index
    tpu.barrier barrier_id(%barrier3A)
    %while3A = arith.constant 0 : i32
    %while3A_43 = arith.constant 0 : i32
    %while3A_44 = arith.subi %add3A_4, %while3A : i32
    %while3A_45 = arith.addi %while3A, %while3A_44 : i32
    %while3A_46 = arith.constant 1 : i32
    %while3A_47 = arith.divsi %while3A_44, %while3A_46 : i32
    %while3A_48 = arith.muli %while3A_47, %while3A_46 : i32
    %while3A_49 = arith.addi %while3A, %while3A_48 : i32
    %while3A_50 = arith.constant 1 : i32
    %while3A_51 = scf.for %while3A_94 = %while3A to %while3A_49 step %while3A_50 iter_args(%while3A_95 = %while3A_43) -> (i32)  : i32 {
      %rem3A = arith.constant 3 : i32
      %rem3A_96 = arith.remsi %while3A_94, %rem3A : i32
      %dma_wait3A_97 = arith.constant 0 : i32
      %dma_wait3A_98 = arith.constant 0 : i32
      %dma_wait3A_99 = tpu.memref_slice %arg7[%rem3A_96, %dma_wait3A_97, %dma_wait3A_98] : memref<3x128x128xf32, #tpu.memory_space<vmem>> -> memref<1x128x128xf32, #tpu.memory_space<vmem>>
      %dma_wait3A_100 = tpu.memref_squeeze %dma_wait3A_99 : memref<1x128x128xf32, #tpu.memory_space<vmem>> -> memref<128x128xf32, #tpu.memory_space<vmem>>
      %dma_wait3A_101 = arith.constant 0 : i32
      %dma_wait3A_102 = arith.constant 0 : i32
      %dma_wait3A_103 = tpu.memref_slice %arg2[%dma_wait3A_101, %dma_wait3A_102] : memref<320000x128xf32, #tpu.memory_space<hbm>> -> memref<128x128xf32, #tpu.memory_space<hbm>>
      %dma_wait3A_104 = arith.constant 0 : i32
      %dma_wait3A_105 = arith.constant 0 : i32
      %dma_wait3A_106 = tpu.memref_slice %arg7[%rem3A_96, %dma_wait3A_104, %dma_wait3A_105] : memref<3x128x128xf32, #tpu.memory_space<vmem>> -> memref<1x128x128xf32, #tpu.memory_space<vmem>>
      %dma_wait3A_107 = tpu.memref_squeeze %dma_wait3A_106 : memref<1x128x128xf32, #tpu.memory_space<vmem>> -> memref<128x128xf32, #tpu.memory_space<vmem>>
      %dma_wait3A_108 = arith.constant 0 : i32
      %dma_wait3A_109 = arith.constant 0 : i32
      %dma_wait3A_110 = tpu.memref_slice %arg2[%dma_wait3A_108, %dma_wait3A_109] : memref<320000x128xf32, #tpu.memory_space<hbm>> -> memref<128x128xf32, #tpu.memory_space<hbm>>
      tpu.wait_dma2 semaphore(%arg9 : memref<!tpu.dma_semaphore, #tpu.memory_space<semaphore_mem>>) src(%dma_wait3A_110 : memref<128x128xf32, #tpu.memory_space<hbm>>) dst(%dma_wait3A_107 : memref<128x128xf32, #tpu.memory_space<vmem>>)
      %dma_wait3A_111 = arith.constant 0 : i32
      %dma_wait3A_112 = arith.constant 0 : i32
      %dma_wait3A_113 = tpu.memref_slice %arg8[%rem3A_96, %dma_wait3A_111, %dma_wait3A_112] : memref<3x2x128xi32, #tpu.memory_space<vmem>> -> memref<1x2x128xi32, #tpu.memory_space<vmem>>
      %dma_wait3A_114 = tpu.memref_squeeze %dma_wait3A_113 : memref<1x2x128xi32, #tpu.memory_space<vmem>> -> memref<2x128xi32, #tpu.memory_space<vmem>>
      %dma_wait3A_115 = arith.constant 0 : i32
      %dma_wait3A_116 = arith.constant 0 : i32
      %dma_wait3A_117 = tpu.memref_slice %arg3[%dma_wait3A_115, %dma_wait3A_116] : memref<2x320000xi32, #tpu.memory_space<hbm>> -> memref<2x128xi32, #tpu.memory_space<hbm>>
      %dma_wait3A_118 = arith.constant 0 : i32
      %dma_wait3A_119 = arith.constant 0 : i32
      %dma_wait3A_120 = tpu.memref_slice %arg8[%rem3A_96, %dma_wait3A_118, %dma_wait3A_119] : memref<3x2x128xi32, #tpu.memory_space<vmem>> -> memref<1x2x128xi32, #tpu.memory_space<vmem>>
      %dma_wait3A_121 = tpu.memref_squeeze %dma_wait3A_120 : memref<1x2x128xi32, #tpu.memory_space<vmem>> -> memref<2x128xi32, #tpu.memory_space<vmem>>
      %dma_wait3A_122 = arith.constant 0 : i32
      %dma_wait3A_123 = arith.constant 0 : i32
      %dma_wait3A_124 = tpu.memref_slice %arg3[%dma_wait3A_122, %dma_wait3A_123] : memref<2x320000xi32, #tpu.memory_space<hbm>> -> memref<2x128xi32, #tpu.memory_space<hbm>>
      tpu.wait_dma2 semaphore(%arg10 : memref<!tpu.dma_semaphore, #tpu.memory_space<semaphore_mem>>) src(%dma_wait3A_124 : memref<2x128xi32, #tpu.memory_space<hbm>>) dst(%dma_wait3A_121 : memref<2x128xi32, #tpu.memory_space<vmem>>)
      %ge3A = arith.constant 2 : i32
      %ge3A_125 = arith.cmpi sge, %while3A_94, %ge3A : i32
      %convert_element_type3A_126 = arith.extui %ge3A_125 : i1 to i32
      %cond3A_127 = arith.constant 0 : i32
      %cond3A_128 = arith.cmpi ne, %convert_element_type3A_126, %cond3A_127 : i32
      scf.if %cond3A_128 {
        %dma_wait3A_147 = arith.constant 0 : i32
        %dma_wait3A_148 = arith.constant 0 : i32
        %dma_wait3A_149 = arith.constant 0 : i32
        %dma_wait3A_150 = tpu.memref_slice %arg7[%dma_wait3A_147, %dma_wait3A_148, %dma_wait3A_149] : memref<3x128x128xf32, #tpu.memory_space<vmem>> -> memref<1x128x128xf32, #tpu.memory_space<vmem>>
        %dma_wait3A_151 = tpu.memref_squeeze %dma_wait3A_150 : memref<1x128x128xf32, #tpu.memory_space<vmem>> -> memref<128x128xf32, #tpu.memory_space<vmem>>
        %dma_wait3A_152 = arith.constant 0 : i32
        %dma_wait3A_153 = arith.constant 0 : i32
        %dma_wait3A_154 = tpu.memref_slice %arg2[%dma_wait3A_152, %dma_wait3A_153] : memref<320000x128xf32, #tpu.memory_space<hbm>> -> memref<128x128xf32, #tpu.memory_space<hbm>>
        %dma_wait3A_155 = arith.constant 0 : i32
        %dma_wait3A_156 = arith.constant 0 : i32
        %dma_wait3A_157 = tpu.memref_slice %arg7[%dma_wait3A_147, %dma_wait3A_155, %dma_wait3A_156] : memref<3x128x128xf32, #tpu.memory_space<vmem>> -> memref<1x128x128xf32, #tpu.memory_space<vmem>>
        %dma_wait3A_158 = tpu.memref_squeeze %dma_wait3A_157 : memref<1x128x128xf32, #tpu.memory_space<vmem>> -> memref<128x128xf32, #tpu.memory_space<vmem>>
        %dma_wait3A_159 = arith.constant 0 : i32
        %dma_wait3A_160 = arith.constant 0 : i32
        %dma_wait3A_161 = tpu.memref_slice %arg2[%dma_wait3A_159, %dma_wait3A_160] : memref<320000x128xf32, #tpu.memory_space<hbm>> -> memref<128x128xf32, #tpu.memory_space<hbm>>
        tpu.wait_dma2 semaphore(%arg11 : memref<!tpu.dma_semaphore, #tpu.memory_space<semaphore_mem>>) src(%dma_wait3A_161 : memref<128x128xf32, #tpu.memory_space<hbm>>) dst(%dma_wait3A_158 : memref<128x128xf32, #tpu.memory_space<vmem>>)
      } else {
      }
      %add3A_129 = arith.constant 1 : i32
      %add3A_130 = arith.addi %while3A_94, %add3A_129 : i32
      %lt3A_131 = arith.cmpi slt, %add3A_130, %add3A_4 : i32
      %convert_element_type3A_132 = arith.extui %lt3A_131 : i1 to i32
      %cond3A_133 = arith.constant 0 : i32
      %cond3A_134 = arith.cmpi ne, %convert_element_type3A_132, %cond3A_133 : i32
      scf.if %cond3A_134 {
        %add3A_147 = arith.constant 1 : i32
        %add3A_148 = arith.addi %while3A_94, %add3A_147 : i32
        %add3A_149 = arith.constant 1 : i32
        %add3A_150 = arith.addi %while3A_94, %add3A_149 : i32
        %rem3A_151 = arith.constant 3 : i32
        %rem3A_152 = arith.remsi %add3A_150, %rem3A_151 : i32
        %mul3A_153 = arith.constant 32 : i32
        %mul3A_154 = arith.muli %mul3A_153, %add3A_148 : i32
        %add3A_155 = arith.addi %add3A, %mul3A_154 : i32
        %mul3A_156 = arith.constant 128 : i32
        %mul3A_157 = arith.muli %add3A_155, %mul3A_156 : i32
        %dma_start3A_158 = arith.constant 0 : i32
        %dma_start3A_159 = arith.constant 0 : i32
        %dma_start3A_160 = tpu.memref_slice %arg7[%rem3A_152, %dma_start3A_158, %dma_start3A_159] : memref<3x128x128xf32, #tpu.memory_space<vmem>> -> memref<1x128x128xf32, #tpu.memory_space<vmem>>
        %dma_start3A_161 = tpu.memref_squeeze %dma_start3A_160 : memref<1x128x128xf32, #tpu.memory_space<vmem>> -> memref<128x128xf32, #tpu.memory_space<vmem>>
        %dma_start3A_162 = arith.constant 0 : i32
        %dma_start3A_163 = tpu.memref_slice %arg2[%mul3A_157, %dma_start3A_162] : memref<320000x128xf32, #tpu.memory_space<hbm>> -> memref<128x128xf32, #tpu.memory_space<hbm>>
        %dma_start3A_164 = arith.constant 0 : i32
        %dma_start3A_165 = arith.constant 0 : i32
        %dma_start3A_166 = tpu.memref_slice %arg7[%rem3A_152, %dma_start3A_164, %dma_start3A_165] : memref<3x128x128xf32, #tpu.memory_space<vmem>> -> memref<1x128x128xf32, #tpu.memory_space<vmem>>
        %dma_start3A_167 = tpu.memref_squeeze %dma_start3A_166 : memref<1x128x128xf32, #tpu.memory_space<vmem>> -> memref<128x128xf32, #tpu.memory_space<vmem>>
        %dma_start3A_168 = arith.constant 0 : i32
        %dma_start3A_169 = tpu.memref_slice %arg2[%mul3A_157, %dma_start3A_168] : memref<320000x128xf32, #tpu.memory_space<hbm>> -> memref<128x128xf32, #tpu.memory_space<hbm>>
        tpu.enqueue_dma source(%dma_start3A_169 : memref<128x128xf32, #tpu.memory_space<hbm>>) target(%dma_start3A_167 : memref<128x128xf32, #tpu.memory_space<vmem>>) target_semaphore(%arg9 : memref<!tpu.dma_semaphore, #tpu.memory_space<semaphore_mem>>)
        %mul3A_170 = arith.constant 128 : i32
        %mul3A_171 = arith.muli %add3A_155, %mul3A_170 : i32
        %dma_start3A_172 = arith.constant 0 : i32
        %dma_start3A_173 = arith.constant 0 : i32
        %dma_start3A_174 = tpu.memref_slice %arg8[%rem3A_152, %dma_start3A_172, %dma_start3A_173] : memref<3x2x128xi32, #tpu.memory_space<vmem>> -> memref<1x2x128xi32, #tpu.memory_space<vmem>>
        %dma_start3A_175 = tpu.memref_squeeze %dma_start3A_174 : memref<1x2x128xi32, #tpu.memory_space<vmem>> -> memref<2x128xi32, #tpu.memory_space<vmem>>
        %dma_start3A_176 = arith.constant 0 : i32
        %dma_start3A_177 = tpu.memref_slice %arg3[%dma_start3A_176, %mul3A_171] : memref<2x320000xi32, #tpu.memory_space<hbm>> -> memref<2x128xi32, #tpu.memory_space<hbm>>
        %dma_start3A_178 = arith.constant 0 : i32
        %dma_start3A_179 = arith.constant 0 : i32
        %dma_start3A_180 = tpu.memref_slice %arg8[%rem3A_152, %dma_start3A_178, %dma_start3A_179] : memref<3x2x128xi32, #tpu.memory_space<vmem>> -> memref<1x2x128xi32, #tpu.memory_space<vmem>>
        %dma_start3A_181 = tpu.memref_squeeze %dma_start3A_180 : memref<1x2x128xi32, #tpu.memory_space<vmem>> -> memref<2x128xi32, #tpu.memory_space<vmem>>
        %dma_start3A_182 = arith.constant 0 : i32
        %dma_start3A_183 = tpu.memref_slice %arg3[%dma_start3A_182, %mul3A_171] : memref<2x320000xi32, #tpu.memory_space<hbm>> -> memref<2x128xi32, #tpu.memory_space<hbm>>
        tpu.enqueue_dma source(%dma_start3A_183 : memref<2x128xi32, #tpu.memory_space<hbm>>) target(%dma_start3A_181 : memref<2x128xi32, #tpu.memory_space<vmem>>) target_semaphore(%arg10 : memref<!tpu.dma_semaphore, #tpu.memory_space<semaphore_mem>>)
      } else {
      }
      %dma_start3A_135 = arith.constant 1 : i32
      %dma_start3A_136 = arith.constant 0 : i32
      %dma_start3A_137 = arith.constant 0 : i32
      %dma_start3A_138 = tpu.memref_slice %arg7[%rem3A_96, %dma_start3A_136, %dma_start3A_137] : memref<3x128x128xf32, #tpu.memory_space<vmem>> -> memref<1x128x128xf32, #tpu.memory_space<vmem>>
      %dma_start3A_139 = tpu.memref_squeeze %dma_start3A_138 : memref<1x128x128xf32, #tpu.memory_space<vmem>> -> memref<128x128xf32, #tpu.memory_space<vmem>>
      %dma_start3A_140 = arith.constant 0 : i32
      %dma_start3A_141 = tpu.memref_slice %arg8[%rem3A_96, %dma_start3A_135, %dma_start3A_140] : memref<3x2x128xi32, #tpu.memory_space<vmem>> -> memref<1x1x128xi32, #tpu.memory_space<vmem>>
      %dma_start3A_142 = tpu.memref_squeeze %dma_start3A_141 : memref<1x1x128xi32, #tpu.memory_space<vmem>> -> memref<128xi32, #tpu.memory_space<vmem>>
      %dma_start3A_143 = arith.constant 0 : i32
      %dma_start3A_144 = arith.constant 0 : i32
      %dma_start3A_145 = tpu.memref_slice %arg6[%dma_start3A_143, %dma_start3A_144] : memref<10000x128xf32, #tpu.memory_space<vmem_shared>> -> memref<10000x128xf32, #tpu.memory_space<vmem_shared>>
      tpu.enqueue_indirect_dma source(%dma_start3A_139 : memref<128x128xf32, #tpu.memory_space<vmem>>) target(%dma_start3A_145 : memref<10000x128xf32, #tpu.memory_space<vmem_shared>>) offsets(%dma_start3A_142 : memref<128xi32, #tpu.memory_space<vmem>>) semaphore(%arg11 : memref<!tpu.dma_semaphore, #tpu.memory_space<semaphore_mem>>) {add = true}
      %while3A_146 = arith.constant 0 : i32
      scf.yield %while3A_146 : i32
    }
    %while3A_52 = arith.constant 1 : i32
    %while3A_53 = scf.for %while3A_94 = %while3A_49 to %while3A_45 step %while3A_52 iter_args(%while3A_95 = %while3A_51) -> (i32)  : i32 {
      %rem3A = arith.constant 3 : i32
      %rem3A_96 = arith.remsi %while3A_94, %rem3A : i32
      %dma_wait3A_97 = arith.constant 0 : i32
      %dma_wait3A_98 = arith.constant 0 : i32
      %dma_wait3A_99 = tpu.memref_slice %arg7[%rem3A_96, %dma_wait3A_97, %dma_wait3A_98] : memref<3x128x128xf32, #tpu.memory_space<vmem>> -> memref<1x128x128xf32, #tpu.memory_space<vmem>>
      %dma_wait3A_100 = tpu.memref_squeeze %dma_wait3A_99 : memref<1x128x128xf32, #tpu.memory_space<vmem>> -> memref<128x128xf32, #tpu.memory_space<vmem>>
      %dma_wait3A_101 = arith.constant 0 : i32
      %dma_wait3A_102 = arith.constant 0 : i32
      %dma_wait3A_103 = tpu.memref_slice %arg2[%dma_wait3A_101, %dma_wait3A_102] : memref<320000x128xf32, #tpu.memory_space<hbm>> -> memref<128x128xf32, #tpu.memory_space<hbm>>
      %dma_wait3A_104 = arith.constant 0 : i32
      %dma_wait3A_105 = arith.constant 0 : i32
      %dma_wait3A_106 = tpu.memref_slice %arg7[%rem3A_96, %dma_wait3A_104, %dma_wait3A_105] : memref<3x128x128xf32, #tpu.memory_space<vmem>> -> memref<1x128x128xf32, #tpu.memory_space<vmem>>
      %dma_wait3A_107 = tpu.memref_squeeze %dma_wait3A_106 : memref<1x128x128xf32, #tpu.memory_space<vmem>> -> memref<128x128xf32, #tpu.memory_space<vmem>>
      %dma_wait3A_108 = arith.constant 0 : i32
      %dma_wait3A_109 = arith.constant 0 : i32
      %dma_wait3A_110 = tpu.memref_slice %arg2[%dma_wait3A_108, %dma_wait3A_109] : memref<320000x128xf32, #tpu.memory_space<hbm>> -> memref<128x128xf32, #tpu.memory_space<hbm>>
      tpu.wait_dma2 semaphore(%arg9 : memref<!tpu.dma_semaphore, #tpu.memory_space<semaphore_mem>>) src(%dma_wait3A_110 : memref<128x128xf32, #tpu.memory_space<hbm>>) dst(%dma_wait3A_107 : memref<128x128xf32, #tpu.memory_space<vmem>>)
      %dma_wait3A_111 = arith.constant 0 : i32
      %dma_wait3A_112 = arith.constant 0 : i32
      %dma_wait3A_113 = tpu.memref_slice %arg8[%rem3A_96, %dma_wait3A_111, %dma_wait3A_112] : memref<3x2x128xi32, #tpu.memory_space<vmem>> -> memref<1x2x128xi32, #tpu.memory_space<vmem>>
      %dma_wait3A_114 = tpu.memref_squeeze %dma_wait3A_113 : memref<1x2x128xi32, #tpu.memory_space<vmem>> -> memref<2x128xi32, #tpu.memory_space<vmem>>
      %dma_wait3A_115 = arith.constant 0 : i32
      %dma_wait3A_116 = arith.constant 0 : i32
      %dma_wait3A_117 = tpu.memref_slice %arg3[%dma_wait3A_115, %dma_wait3A_116] : memref<2x320000xi32, #tpu.memory_space<hbm>> -> memref<2x128xi32, #tpu.memory_space<hbm>>
      %dma_wait3A_118 = arith.constant 0 : i32
      %dma_wait3A_119 = arith.constant 0 : i32
      %dma_wait3A_120 = tpu.memref_slice %arg8[%rem3A_96, %dma_wait3A_118, %dma_wait3A_119] : memref<3x2x128xi32, #tpu.memory_space<vmem>> -> memref<1x2x128xi32, #tpu.memory_space<vmem>>
      %dma_wait3A_121 = tpu.memref_squeeze %dma_wait3A_120 : memref<1x2x128xi32, #tpu.memory_space<vmem>> -> memref<2x128xi32, #tpu.memory_space<vmem>>
      %dma_wait3A_122 = arith.constant 0 : i32
      %dma_wait3A_123 = arith.constant 0 : i32
      %dma_wait3A_124 = tpu.memref_slice %arg3[%dma_wait3A_122, %dma_wait3A_123] : memref<2x320000xi32, #tpu.memory_space<hbm>> -> memref<2x128xi32, #tpu.memory_space<hbm>>
      tpu.wait_dma2 semaphore(%arg10 : memref<!tpu.dma_semaphore, #tpu.memory_space<semaphore_mem>>) src(%dma_wait3A_124 : memref<2x128xi32, #tpu.memory_space<hbm>>) dst(%dma_wait3A_121 : memref<2x128xi32, #tpu.memory_space<vmem>>)
      %ge3A = arith.constant 2 : i32
      %ge3A_125 = arith.cmpi sge, %while3A_94, %ge3A : i32
      %convert_element_type3A_126 = arith.extui %ge3A_125 : i1 to i32
      %cond3A_127 = arith.constant 0 : i32
      %cond3A_128 = arith.cmpi ne, %convert_element_type3A_126, %cond3A_127 : i32
      scf.if %cond3A_128 {
        %dma_wait3A_147 = arith.constant 0 : i32
        %dma_wait3A_148 = arith.constant 0 : i32
        %dma_wait3A_149 = arith.constant 0 : i32
        %dma_wait3A_150 = tpu.memref_slice %arg7[%dma_wait3A_147, %dma_wait3A_148, %dma_wait3A_149] : memref<3x128x128xf32, #tpu.memory_space<vmem>> -> memref<1x128x128xf32, #tpu.memory_space<vmem>>
        %dma_wait3A_151 = tpu.memref_squeeze %dma_wait3A_150 : memref<1x128x128xf32, #tpu.memory_space<vmem>> -> memref<128x128xf32, #tpu.memory_space<vmem>>
        %dma_wait3A_152 = arith.constant 0 : i32
        %dma_wait3A_153 = arith.constant 0 : i32
        %dma_wait3A_154 = tpu.memref_slice %arg2[%dma_wait3A_152, %dma_wait3A_153] : memref<320000x128xf32, #tpu.memory_space<hbm>> -> memref<128x128xf32, #tpu.memory_space<hbm>>
        %dma_wait3A_155 = arith.constant 0 : i32
        %dma_wait3A_156 = arith.constant 0 : i32
        %dma_wait3A_157 = tpu.memref_slice %arg7[%dma_wait3A_147, %dma_wait3A_155, %dma_wait3A_156] : memref<3x128x128xf32, #tpu.memory_space<vmem>> -> memref<1x128x128xf32, #tpu.memory_space<vmem>>
        %dma_wait3A_158 = tpu.memref_squeeze %dma_wait3A_157 : memref<1x128x128xf32, #tpu.memory_space<vmem>> -> memref<128x128xf32, #tpu.memory_space<vmem>>
        %dma_wait3A_159 = arith.constant 0 : i32
        %dma_wait3A_160 = arith.constant 0 : i32
        %dma_wait3A_161 = tpu.memref_slice %arg2[%dma_wait3A_159, %dma_wait3A_160] : memref<320000x128xf32, #tpu.memory_space<hbm>> -> memref<128x128xf32, #tpu.memory_space<hbm>>
        tpu.wait_dma2 semaphore(%arg11 : memref<!tpu.dma_semaphore, #tpu.memory_space<semaphore_mem>>) src(%dma_wait3A_161 : memref<128x128xf32, #tpu.memory_space<hbm>>) dst(%dma_wait3A_158 : memref<128x128xf32, #tpu.memory_space<vmem>>)
      } else {
      }
      %add3A_129 = arith.constant 1 : i32
      %add3A_130 = arith.addi %while3A_94, %add3A_129 : i32
      %lt3A_131 = arith.cmpi slt, %add3A_130, %add3A_4 : i32
      %convert_element_type3A_132 = arith.extui %lt3A_131 : i1 to i32
      %cond3A_133 = arith.constant 0 : i32
      %cond3A_134 = arith.cmpi ne, %convert_element_type3A_132, %cond3A_133 : i32
      scf.if %cond3A_134 {
        %add3A_147 = arith.constant 1 : i32
        %add3A_148 = arith.addi %while3A_94, %add3A_147 : i32
        %add3A_149 = arith.constant 1 : i32
        %add3A_150 = arith.addi %while3A_94, %add3A_149 : i32
        %rem3A_151 = arith.constant 3 : i32
        %rem3A_152 = arith.remsi %add3A_150, %rem3A_151 : i32
        %mul3A_153 = arith.constant 32 : i32
        %mul3A_154 = arith.muli %mul3A_153, %add3A_148 : i32
        %add3A_155 = arith.addi %add3A, %mul3A_154 : i32
        %mul3A_156 = arith.constant 128 : i32
        %mul3A_157 = arith.muli %add3A_155, %mul3A_156 : i32
        %dma_start3A_158 = arith.constant 0 : i32
        %dma_start3A_159 = arith.constant 0 : i32
        %dma_start3A_160 = tpu.memref_slice %arg7[%rem3A_152, %dma_start3A_158, %dma_start3A_159] : memref<3x128x128xf32, #tpu.memory_space<vmem>> -> memref<1x128x128xf32, #tpu.memory_space<vmem>>
        %dma_start3A_161 = tpu.memref_squeeze %dma_start3A_160 : memref<1x128x128xf32, #tpu.memory_space<vmem>> -> memref<128x128xf32, #tpu.memory_space<vmem>>
        %dma_start3A_162 = arith.constant 0 : i32
        %dma_start3A_163 = tpu.memref_slice %arg2[%mul3A_157, %dma_start3A_162] : memref<320000x128xf32, #tpu.memory_space<hbm>> -> memref<128x128xf32, #tpu.memory_space<hbm>>
        %dma_start3A_164 = arith.constant 0 : i32
        %dma_start3A_165 = arith.constant 0 : i32
        %dma_start3A_166 = tpu.memref_slice %arg7[%rem3A_152, %dma_start3A_164, %dma_start3A_165] : memref<3x128x128xf32, #tpu.memory_space<vmem>> -> memref<1x128x128xf32, #tpu.memory_space<vmem>>
        %dma_start3A_167 = tpu.memref_squeeze %dma_start3A_166 : memref<1x128x128xf32, #tpu.memory_space<vmem>> -> memref<128x128xf32, #tpu.memory_space<vmem>>
        %dma_start3A_168 = arith.constant 0 : i32
        %dma_start3A_169 = tpu.memref_slice %arg2[%mul3A_157, %dma_start3A_168] : memref<320000x128xf32, #tpu.memory_space<hbm>> -> memref<128x128xf32, #tpu.memory_space<hbm>>
        tpu.enqueue_dma source(%dma_start3A_169 : memref<128x128xf32, #tpu.memory_space<hbm>>) target(%dma_start3A_167 : memref<128x128xf32, #tpu.memory_space<vmem>>) target_semaphore(%arg9 : memref<!tpu.dma_semaphore, #tpu.memory_space<semaphore_mem>>)
        %mul3A_170 = arith.constant 128 : i32
        %mul3A_171 = arith.muli %add3A_155, %mul3A_170 : i32
        %dma_start3A_172 = arith.constant 0 : i32
        %dma_start3A_173 = arith.constant 0 : i32
        %dma_start3A_174 = tpu.memref_slice %arg8[%rem3A_152, %dma_start3A_172, %dma_start3A_173] : memref<3x2x128xi32, #tpu.memory_space<vmem>> -> memref<1x2x128xi32, #tpu.memory_space<vmem>>
        %dma_start3A_175 = tpu.memref_squeeze %dma_start3A_174 : memref<1x2x128xi32, #tpu.memory_space<vmem>> -> memref<2x128xi32, #tpu.memory_space<vmem>>
        %dma_start3A_176 = arith.constant 0 : i32
        %dma_start3A_177 = tpu.memref_slice %arg3[%dma_start3A_176, %mul3A_171] : memref<2x320000xi32, #tpu.memory_space<hbm>> -> memref<2x128xi32, #tpu.memory_space<hbm>>
        %dma_start3A_178 = arith.constant 0 : i32
        %dma_start3A_179 = arith.constant 0 : i32
        %dma_start3A_180 = tpu.memref_slice %arg8[%rem3A_152, %dma_start3A_178, %dma_start3A_179] : memref<3x2x128xi32, #tpu.memory_space<vmem>> -> memref<1x2x128xi32, #tpu.memory_space<vmem>>
        %dma_start3A_181 = tpu.memref_squeeze %dma_start3A_180 : memref<1x2x128xi32, #tpu.memory_space<vmem>> -> memref<2x128xi32, #tpu.memory_space<vmem>>
        %dma_start3A_182 = arith.constant 0 : i32
        %dma_start3A_183 = tpu.memref_slice %arg3[%dma_start3A_182, %mul3A_171] : memref<2x320000xi32, #tpu.memory_space<hbm>> -> memref<2x128xi32, #tpu.memory_space<hbm>>
        tpu.enqueue_dma source(%dma_start3A_183 : memref<2x128xi32, #tpu.memory_space<hbm>>) target(%dma_start3A_181 : memref<2x128xi32, #tpu.memory_space<vmem>>) target_semaphore(%arg10 : memref<!tpu.dma_semaphore, #tpu.memory_space<semaphore_mem>>)
      } else {
      }
      %dma_start3A_135 = arith.constant 1 : i32
      %dma_start3A_136 = arith.constant 0 : i32
      %dma_start3A_137 = arith.constant 0 : i32
      %dma_start3A_138 = tpu.memref_slice %arg7[%rem3A_96, %dma_start3A_136, %dma_start3A_137] : memref<3x128x128xf32, #tpu.memory_space<vmem>> -> memref<1x128x128xf32, #tpu.memory_space<vmem>>
      %dma_start3A_139 = tpu.memref_squeeze %dma_start3A_138 : memref<1x128x128xf32, #tpu.memory_space<vmem>> -> memref<128x128xf32, #tpu.memory_space<vmem>>
      %dma_start3A_140 = arith.constant 0 : i32
      %dma_start3A_141 = tpu.memref_slice %arg8[%rem3A_96, %dma_start3A_135, %dma_start3A_140] : memref<3x2x128xi32, #tpu.memory_space<vmem>> -> memref<1x1x128xi32, #tpu.memory_space<vmem>>
      %dma_start3A_142 = tpu.memref_squeeze %dma_start3A_141 : memref<1x1x128xi32, #tpu.memory_space<vmem>> -> memref<128xi32, #tpu.memory_space<vmem>>
      %dma_start3A_143 = arith.constant 0 : i32
      %dma_start3A_144 = arith.constant 0 : i32
      %dma_start3A_145 = tpu.memref_slice %arg6[%dma_start3A_143, %dma_start3A_144] : memref<10000x128xf32, #tpu.memory_space<vmem_shared>> -> memref<10000x128xf32, #tpu.memory_space<vmem_shared>>
      tpu.enqueue_indirect_dma source(%dma_start3A_139 : memref<128x128xf32, #tpu.memory_space<vmem>>) target(%dma_start3A_145 : memref<10000x128xf32, #tpu.memory_space<vmem_shared>>) offsets(%dma_start3A_142 : memref<128xi32, #tpu.memory_space<vmem>>) semaphore(%arg11 : memref<!tpu.dma_semaphore, #tpu.memory_space<semaphore_mem>>) {add = true}
      %while3A_146 = arith.constant 0 : i32
      scf.yield %while3A_146 : i32
    }
    %dma_wait3A = arith.constant 0 : i32
    %dma_wait3A_54 = arith.constant 0 : i32
    %dma_wait3A_55 = arith.constant 0 : i32
    %dma_wait3A_56 = tpu.memref_slice %arg7[%dma_wait3A, %dma_wait3A_54, %dma_wait3A_55] : memref<3x128x128xf32, #tpu.memory_space<vmem>> -> memref<1x128x128xf32, #tpu.memory_space<vmem>>
    %dma_wait3A_57 = tpu.memref_squeeze %dma_wait3A_56 : memref<1x128x128xf32, #tpu.memory_space<vmem>> -> memref<128x128xf32, #tpu.memory_space<vmem>>
    %dma_wait3A_58 = arith.constant 0 : i32
    %dma_wait3A_59 = arith.constant 0 : i32
    %dma_wait3A_60 = tpu.memref_slice %arg2[%dma_wait3A_58, %dma_wait3A_59] : memref<320000x128xf32, #tpu.memory_space<hbm>> -> memref<128x128xf32, #tpu.memory_space<hbm>>
    %dma_wait3A_61 = arith.constant 0 : i32
    %dma_wait3A_62 = arith.constant 0 : i32
    %dma_wait3A_63 = tpu.memref_slice %arg7[%dma_wait3A, %dma_wait3A_61, %dma_wait3A_62] : memref<3x128x128xf32, #tpu.memory_space<vmem>> -> memref<1x128x128xf32, #tpu.memory_space<vmem>>
    %dma_wait3A_64 = tpu.memref_squeeze %dma_wait3A_63 : memref<1x128x128xf32, #tpu.memory_space<vmem>> -> memref<128x128xf32, #tpu.memory_space<vmem>>
    %dma_wait3A_65 = arith.constant 0 : i32
    %dma_wait3A_66 = arith.constant 0 : i32
    %dma_wait3A_67 = tpu.memref_slice %arg2[%dma_wait3A_65, %dma_wait3A_66] : memref<320000x128xf32, #tpu.memory_space<hbm>> -> memref<128x128xf32, #tpu.memory_space<hbm>>
    tpu.wait_dma2 semaphore(%arg11 : memref<!tpu.dma_semaphore, #tpu.memory_space<semaphore_mem>>) src(%dma_wait3A_67 : memref<128x128xf32, #tpu.memory_space<hbm>>) dst(%dma_wait3A_64 : memref<128x128xf32, #tpu.memory_space<vmem>>)
    %dma_wait3A_68 = arith.constant 0 : i32
    %dma_wait3A_69 = arith.constant 0 : i32
    %dma_wait3A_70 = arith.constant 0 : i32
    %dma_wait3A_71 = tpu.memref_slice %arg7[%dma_wait3A_68, %dma_wait3A_69, %dma_wait3A_70] : memref<3x128x128xf32, #tpu.memory_space<vmem>> -> memref<1x128x128xf32, #tpu.memory_space<vmem>>
    %dma_wait3A_72 = tpu.memref_squeeze %dma_wait3A_71 : memref<1x128x128xf32, #tpu.memory_space<vmem>> -> memref<128x128xf32, #tpu.memory_space<vmem>>
    %dma_wait3A_73 = arith.constant 0 : i32
    %dma_wait3A_74 = arith.constant 0 : i32
    %dma_wait3A_75 = tpu.memref_slice %arg2[%dma_wait3A_73, %dma_wait3A_74] : memref<320000x128xf32, #tpu.memory_space<hbm>> -> memref<128x128xf32, #tpu.memory_space<hbm>>
    %dma_wait3A_76 = arith.constant 0 : i32
    %dma_wait3A_77 = arith.constant 0 : i32
    %dma_wait3A_78 = tpu.memref_slice %arg7[%dma_wait3A_68, %dma_wait3A_76, %dma_wait3A_77] : memref<3x128x128xf32, #tpu.memory_space<vmem>> -> memref<1x128x128xf32, #tpu.memory_space<vmem>>
    %dma_wait3A_79 = tpu.memref_squeeze %dma_wait3A_78 : memref<1x128x128xf32, #tpu.memory_space<vmem>> -> memref<128x128xf32, #tpu.memory_space<vmem>>
    %dma_wait3A_80 = arith.constant 0 : i32
    %dma_wait3A_81 = arith.constant 0 : i32
    %dma_wait3A_82 = tpu.memref_slice %arg2[%dma_wait3A_80, %dma_wait3A_81] : memref<320000x128xf32, #tpu.memory_space<hbm>> -> memref<128x128xf32, #tpu.memory_space<hbm>>
    tpu.wait_dma2 semaphore(%arg11 : memref<!tpu.dma_semaphore, #tpu.memory_space<semaphore_mem>>) src(%dma_wait3A_82 : memref<128x128xf32, #tpu.memory_space<hbm>>) dst(%dma_wait3A_79 : memref<128x128xf32, #tpu.memory_space<vmem>>)
    %barrier3A_83 = arith.constant 0 : index
    tpu.barrier barrier_id(%barrier3A_83)
    %lt3A_84 = arith.constant 15 : i32
    %lt3A_85 = arith.cmpi slt, %arg1, %lt3A_84 : i32
    %convert_element_type3A_86 = arith.extui %lt3A_85 : i1 to i32
    %cond3A_87 = arith.constant 0 : i32
    %cond3A_88 = arith.cmpi ne, %convert_element_type3A_86, %cond3A_87 : i32
    scf.if %cond3A_88 {
      %mul3A_94 = arith.constant 624 : i32
      %mul3A_95 = arith.muli %arg1, %mul3A_94 : i32
      %mul3A_96 = arith.constant 624 : i32
      %mul3A_97 = arith.muli %arg1, %mul3A_96 : i32
      "tpu.region"() ({
        %run_scoped3A = tpu.sem_alloc : memref<!tpu.dma_semaphore, #tpu.memory_space<semaphore_mem>>
        %dma_start3A_98 = arith.constant 0 : i32
        %dma_start3A_99 = tpu.memref_slice %arg5[%arg0, %mul3A_97, %dma_start3A_98] : memref<2x10000x128xf32, #tpu.memory_space<hbm>> -> memref<1x624x128xf32, #tpu.memory_space<hbm>>
        %dma_start3A_100 = tpu.memref_squeeze %dma_start3A_99 : memref<1x624x128xf32, #tpu.memory_space<hbm>> -> memref<624x128xf32, #tpu.memory_space<hbm>>
        %dma_start3A_101 = arith.constant 0 : i32
        %dma_start3A_102 = tpu.memref_slice %arg6[%mul3A_95, %dma_start3A_101] : memref<10000x128xf32, #tpu.memory_space<vmem_shared>> -> memref<624x128xf32, #tpu.memory_space<vmem_shared>>
        tpu.enqueue_dma source(%dma_start3A_102 : memref<624x128xf32, #tpu.memory_space<vmem_shared>>) target(%dma_start3A_100 : memref<624x128xf32, #tpu.memory_space<hbm>>) target_semaphore(%run_scoped3A : memref<!tpu.dma_semaphore, #tpu.memory_space<semaphore_mem>>)
        %dma_wait3A_103 = arith.constant 0 : i32
        %dma_wait3A_104 = tpu.memref_slice %arg5[%arg0, %mul3A_97, %dma_wait3A_103] : memref<2x10000x128xf32, #tpu.memory_space<hbm>> -> memref<1x624x128xf32, #tpu.memory_space<hbm>>
        %dma_wait3A_105 = tpu.memref_squeeze %dma_wait3A_104 : memref<1x624x128xf32, #tpu.memory_space<hbm>> -> memref<624x128xf32, #tpu.memory_space<hbm>>
        %dma_wait3A_106 = arith.constant 0 : i32
        %dma_wait3A_107 = tpu.memref_slice %arg6[%mul3A_95, %dma_wait3A_106] : memref<10000x128xf32, #tpu.memory_space<vmem_shared>> -> memref<624x128xf32, #tpu.memory_space<vmem_shared>>
        tpu.wait_dma2 semaphore(%run_scoped3A : memref<!tpu.dma_semaphore, #tpu.memory_space<semaphore_mem>>) src(%dma_wait3A_107 : memref<624x128xf32, #tpu.memory_space<vmem_shared>>) dst(%dma_wait3A_105 : memref<624x128xf32, #tpu.memory_space<hbm>>)
        tpu.yield
      }) : () -> ()
    } else {
    }
    %eq3A_89 = arith.constant 15 : i32
    %eq3A_90 = arith.cmpi eq, %arg1, %eq3A_89 : i32
    %convert_element_type3A_91 = arith.extui %eq3A_90 : i1 to i32
    %cond3A_92 = arith.constant 0 : i32
    %cond3A_93 = arith.cmpi ne, %convert_element_type3A_91, %cond3A_92 : i32
    scf.if %cond3A_93 {
      "tpu.region"() ({
        %run_scoped3A = tpu.sem_alloc : memref<!tpu.dma_semaphore, #tpu.memory_space<semaphore_mem>>
        %dma_start3A_94 = arith.constant 9360 : i32
        %dma_start3A_95 = arith.constant 0 : i32
        %dma_start3A_96 = tpu.memref_slice %arg5[%arg0, %dma_start3A_94, %dma_start3A_95] : memref<2x10000x128xf32, #tpu.memory_space<hbm>> -> memref<1x640x128xf32, #tpu.memory_space<hbm>>
        %dma_start3A_97 = tpu.memref_squeeze %dma_start3A_96 : memref<1x640x128xf32, #tpu.memory_space<hbm>> -> memref<640x128xf32, #tpu.memory_space<hbm>>
        %dma_start3A_98 = arith.constant 9360 : i32
        %dma_start3A_99 = arith.constant 0 : i32
        %dma_start3A_100 = tpu.memref_slice %arg6[%dma_start3A_98, %dma_start3A_99] : memref<10000x128xf32, #tpu.memory_space<vmem_shared>> -> memref<640x128xf32, #tpu.memory_space<vmem_shared>>
        tpu.enqueue_dma source(%dma_start3A_100 : memref<640x128xf32, #tpu.memory_space<vmem_shared>>) target(%dma_start3A_97 : memref<640x128xf32, #tpu.memory_space<hbm>>) target_semaphore(%run_scoped3A : memref<!tpu.dma_semaphore, #tpu.memory_space<semaphore_mem>>)
        %dma_wait3A_101 = arith.constant 9360 : i32
        %dma_wait3A_102 = arith.constant 0 : i32
        %dma_wait3A_103 = tpu.memref_slice %arg5[%arg0, %dma_wait3A_101, %dma_wait3A_102] : memref<2x10000x128xf32, #tpu.memory_space<hbm>> -> memref<1x640x128xf32, #tpu.memory_space<hbm>>
        %dma_wait3A_104 = tpu.memref_squeeze %dma_wait3A_103 : memref<1x640x128xf32, #tpu.memory_space<hbm>> -> memref<640x128xf32, #tpu.memory_space<hbm>>
        %dma_wait3A_105 = arith.constant 9360 : i32
        %dma_wait3A_106 = arith.constant 0 : i32
        %dma_wait3A_107 = tpu.memref_slice %arg6[%dma_wait3A_105, %dma_wait3A_106] : memref<10000x128xf32, #tpu.memory_space<vmem_shared>> -> memref<640x128xf32, #tpu.memory_space<vmem_shared>>
        tpu.wait_dma2 semaphore(%run_scoped3A : memref<!tpu.dma_semaphore, #tpu.memory_space<semaphore_mem>>) src(%dma_wait3A_107 : memref<640x128xf32, #tpu.memory_space<vmem_shared>>) dst(%dma_wait3A_104 : memref<640x128xf32, #tpu.memory_space<hbm>>)
        tpu.yield
      }) : () -> ()
    } else {
    }
    return
  }
}

module attributes {stable_mosaic.version = 14 : i64} {
  func.func @body(%arg0: i32, %arg1: memref<2x2000x128xf32, #tpu.memory_space<vmem>>, %arg2: memref<2000x128xf32, #tpu.memory_space<vmem>>, %arg3: memref<128x128xf32, #tpu.memory_space<vmem>>, %arg4: memref<128x128xf32, #tpu.memory_space<vmem>>, %arg5: memref<1x128xf32, #tpu.memory_space<vmem>>, %arg6: memref<1x128xf32, #tpu.memory_space<vmem>>, %arg7: memref<1x128xf32, #tpu.memory_space<vmem>>, %arg8: memref<2000x128xf32, #tpu.memory_space<vmem>>) attributes {dimension_semantics = [#tpu.dimension_semantics<arbitrary>], iteration_bounds = array<i64: 5>, scalar_prefetch = 0 : i64, scratch_operands = 0 : i64, tpu.core_type = #tpu.core_type<tc>, window_params = [{transform_indices = @transform_0, window_bounds = array<i64: 2, 2000, 128>}, {transform_indices = @transform_1, window_bounds = array<i64: 2000, 128>}, {pipeline_mode = #tpu.pipeline_mode<synchronous>, transform_indices = @transform_2, window_bounds = array<i64: 128, 128>}, {pipeline_mode = #tpu.pipeline_mode<synchronous>, transform_indices = @transform_3, window_bounds = array<i64: 128, 128>}, {pipeline_mode = #tpu.pipeline_mode<synchronous>, transform_indices = @transform_4, window_bounds = array<i64: 1, 128>}, {pipeline_mode = #tpu.pipeline_mode<synchronous>, transform_indices = @transform_5, window_bounds = array<i64: 1, 128>}, {pipeline_mode = #tpu.pipeline_mode<synchronous>, transform_indices = @transform_6, window_bounds = array<i64: 1, 128>}, {transform_indices = @transform_7, window_bounds = array<i64: 2000, 128>}]} {
    %get3A = arith.constant 0 : index
    %get3A_0 = arith.constant 0 : index
    %get3A_1 = arith.constant 0 : index
    %get3A_2 = vector.load %arg1[%get3A, %get3A_0, %get3A_1] : memref<2x2000x128xf32, #tpu.memory_space<vmem>>, vector<1x2000x128xf32>
    %get3A_3 = vector.shape_cast %get3A_2 : vector<1x2000x128xf32> to vector<2000x128xf32>
    %get3A_4 = arith.constant 1 : index
    %get3A_5 = arith.constant 0 : index
    %get3A_6 = arith.constant 0 : index
    %get3A_7 = vector.load %arg1[%get3A_4, %get3A_5, %get3A_6] : memref<2x2000x128xf32, #tpu.memory_space<vmem>>, vector<1x2000x128xf32>
    %get3A_8 = vector.shape_cast %get3A_7 : vector<1x2000x128xf32> to vector<2000x128xf32>
    %add3A = arith.addf %get3A_3, %get3A_8 : vector<2000x128xf32>
    %get3A_9 = arith.constant 0 : index
    %get3A_10 = arith.constant 0 : index
    %get3A_11 = vector.load %arg3[%get3A_9, %get3A_10] : memref<128x128xf32, #tpu.memory_space<vmem>>, vector<128x128xf32>
    %dot_general3A = arith.constant dense<0.000000e+00> : vector<2000x128xf32>
    %dot_general3A_12 = tpu.matmul %add3A, %get3A_11, %dot_general3A {dimension_numbers = #tpu.dot_dimension_numbers<[1], [0], [0], [1], [0, 0, 1, 1], [], []>, transpose_lhs_hint = false} : vector<2000x128xf32>, vector<128x128xf32>, vector<2000x128xf32> -> vector<2000x128xf32>
    %get3A_13 = arith.constant 0 : index
    %get3A_14 = arith.constant 0 : index
    %get3A_15 = vector.load %arg2[%get3A_13, %get3A_14] : memref<2000x128xf32, #tpu.memory_space<vmem>>, vector<2000x128xf32>
    %add3A_16 = arith.addf %dot_general3A_12, %get3A_15 : vector<2000x128xf32>
    %max3A = arith.constant 0.000000e+00 : f32
    %max3A_17 = vector.broadcast %max3A : f32 to vector<2000x128xf32>
    %max3A_18 = arith.maximumf %add3A_16, %max3A_17 : vector<2000x128xf32>
    %get3A_19 = arith.constant 0 : index
    %get3A_20 = arith.constant 0 : index
    %get3A_21 = vector.load %arg4[%get3A_19, %get3A_20] : memref<128x128xf32, #tpu.memory_space<vmem>>, vector<128x128xf32>
    %dot_general3A_22 = arith.constant dense<0.000000e+00> : vector<2000x128xf32>
    %dot_general3A_23 = tpu.matmul %max3A_18, %get3A_21, %dot_general3A_22 {dimension_numbers = #tpu.dot_dimension_numbers<[1], [0], [0], [1], [0, 0, 1, 1], [], []>, transpose_lhs_hint = false} : vector<2000x128xf32>, vector<128x128xf32>, vector<2000x128xf32> -> vector<2000x128xf32>
    %get3A_24 = arith.constant 0 : index
    %get3A_25 = arith.constant 0 : index
    %get3A_26 = vector.load %arg5[%get3A_24, %get3A_25] : memref<1x128xf32, #tpu.memory_space<vmem>>, vector<1x128xf32>
    %add3A_27 = vector.broadcast %get3A_26 : vector<1x128xf32> to vector<2000x128xf32>
    %add3A_28 = arith.addf %dot_general3A_23, %add3A_27 : vector<2000x128xf32>
    %max3A_29 = arith.constant 0.000000e+00 : f32
    %max3A_30 = vector.broadcast %max3A_29 : f32 to vector<2000x128xf32>
    %max3A_31 = arith.maximumf %add3A_28, %max3A_30 : vector<2000x128xf32>
    %reduce_sum3A = arith.constant dense<0.000000e+00> : vector<2000xf32>
    %reduce_sum3A_32 = vector.multi_reduction <add>, %max3A_31, %reduce_sum3A [1] : vector<2000x128xf32> to vector<2000xf32>
    %broadcast_in_dim3A = vector.shape_cast %reduce_sum3A_32 : vector<2000xf32> to vector<2000x1xf32>
    %div3A = arith.constant 1.280000e+02 : f32
    %div3A_33 = vector.broadcast %div3A : f32 to vector<2000x1xf32>
    %div3A_34 = arith.divf %broadcast_in_dim3A, %div3A_33 : vector<2000x1xf32>
    %sub3A = vector.broadcast %div3A_34 : vector<2000x1xf32> to vector<2000x128xf32>
    %sub3A_35 = arith.subf %max3A_31, %sub3A : vector<2000x128xf32>
    %mul3A = arith.mulf %sub3A_35, %sub3A_35 : vector<2000x128xf32>
    %reduce_sum3A_36 = arith.constant dense<0.000000e+00> : vector<2000xf32>
    %reduce_sum3A_37 = vector.multi_reduction <add>, %mul3A, %reduce_sum3A_36 [1] : vector<2000x128xf32> to vector<2000xf32>
    %broadcast_in_dim3A_38 = vector.shape_cast %reduce_sum3A_37 : vector<2000xf32> to vector<2000x1xf32>
    %div3A_39 = arith.constant 1.280000e+02 : f32
    %div3A_40 = vector.broadcast %div3A_39 : f32 to vector<2000x1xf32>
    %div3A_41 = arith.divf %broadcast_in_dim3A_38, %div3A_40 : vector<2000x1xf32>
    %add3A_42 = arith.constant 9.99999974E-6 : f32
    %add3A_43 = vector.broadcast %add3A_42 : f32 to vector<2000x1xf32>
    %add3A_44 = arith.addf %div3A_41, %add3A_43 : vector<2000x1xf32>
    %rsqrt3A = math.rsqrt %add3A_44 : vector<2000x1xf32>
    %mul3A_45 = vector.broadcast %rsqrt3A : vector<2000x1xf32> to vector<2000x128xf32>
    %mul3A_46 = arith.mulf %sub3A_35, %mul3A_45 : vector<2000x128xf32>
    %get3A_47 = arith.constant 0 : index
    %get3A_48 = arith.constant 0 : index
    %get3A_49 = vector.load %arg6[%get3A_47, %get3A_48] : memref<1x128xf32, #tpu.memory_space<vmem>>, vector<1x128xf32>
    %mul3A_50 = vector.broadcast %get3A_49 : vector<1x128xf32> to vector<2000x128xf32>
    %mul3A_51 = arith.mulf %mul3A_46, %mul3A_50 : vector<2000x128xf32>
    %get3A_52 = arith.constant 0 : index
    %get3A_53 = arith.constant 0 : index
    %get3A_54 = vector.load %arg7[%get3A_52, %get3A_53] : memref<1x128xf32, #tpu.memory_space<vmem>>, vector<1x128xf32>
    %add3A_55 = vector.broadcast %get3A_54 : vector<1x128xf32> to vector<2000x128xf32>
    %add3A_56 = arith.addf %mul3A_51, %add3A_55 : vector<2000x128xf32>
    %swap3A = arith.constant 0 : index
    %swap3A_57 = arith.constant 0 : index
    %swap3A_58 = vector.load %arg8[%swap3A, %swap3A_57] : memref<2000x128xf32, #tpu.memory_space<vmem>>, vector<2000x128xf32>
    tpu.vector_store %arg8[%swap3A, %swap3A_57], %add3A_56 {strides = array<i32>} : memref<2000x128xf32, #tpu.memory_space<vmem>>, vector<2000x128xf32>,
    return
  }
  func.func @transform_0(%arg0: i32) -> (i32, i32, i32) {
    %c0_i32 = arith.constant 0 : i32
    %c0_i32_0 = arith.constant 0 : i32
    %c0_i32_1 = arith.constant 0 : i32
    return %c0_i32, %arg0, %c0_i32_0 : i32, i32, i32
  }
  func.func @transform_1(%arg0: i32) -> (i32, i32) {
    %c0_i32 = arith.constant 0 : i32
    %c0_i32_0 = arith.constant 0 : i32
    return %arg0, %c0_i32 : i32, i32
  }
  func.func @transform_2(%arg0: i32) -> (i32, i32) {
    %c0_i32 = arith.constant 0 : i32
    %c0_i32_0 = arith.constant 0 : i32
    %c0_i32_1 = arith.constant 0 : i32
    return %c0_i32, %c0_i32_0 : i32, i32
  }
  func.func @transform_3(%arg0: i32) -> (i32, i32) {
    %c0_i32 = arith.constant 0 : i32
    %c0_i32_0 = arith.constant 0 : i32
    %c0_i32_1 = arith.constant 0 : i32
    return %c0_i32, %c0_i32_0 : i32, i32
  }
  func.func @transform_4(%arg0: i32) -> (i32, i32) {
    %c0_i32 = arith.constant 0 : i32
    %c0_i32_0 = arith.constant 0 : i32
    %c0_i32_1 = arith.constant 0 : i32
    return %c0_i32, %c0_i32_0 : i32, i32
  }
  func.func @transform_5(%arg0: i32) -> (i32, i32) {
    %c0_i32 = arith.constant 0 : i32
    %c0_i32_0 = arith.constant 0 : i32
    %c0_i32_1 = arith.constant 0 : i32
    return %c0_i32, %c0_i32_0 : i32, i32
  }
  func.func @transform_6(%arg0: i32) -> (i32, i32) {
    %c0_i32 = arith.constant 0 : i32
    %c0_i32_0 = arith.constant 0 : i32
    %c0_i32_1 = arith.constant 0 : i32
    return %c0_i32, %c0_i32_0 : i32, i32
  }
  func.func @transform_7(%arg0: i32) -> (i32, i32) {
    %c0_i32 = arith.constant 0 : i32
    %c0_i32_0 = arith.constant 0 : i32
    return %arg0, %c0_i32 : i32, i32
  }
}

module attributes {stable_mosaic.version = 14 : i64} {
  func.func @body(%arg0: i32, %arg1: memref<2000x128xf32, #tpu.memory_space<vmem>>, %arg2: memref<128x128xf32, #tpu.memory_space<vmem>>, %arg3: memref<1x128xf32, #tpu.memory_space<vmem>>, %arg4: memref<2000x128xf32, #tpu.memory_space<vmem>>) attributes {dimension_semantics = [#tpu.dimension_semantics<arbitrary>], iteration_bounds = array<i64: 5>, scalar_prefetch = 0 : i64, scratch_operands = 0 : i64, tpu.core_type = #tpu.core_type<tc>, window_params = [{transform_indices = @transform_0, window_bounds = array<i64: 2000, 128>}, {pipeline_mode = #tpu.pipeline_mode<synchronous>, transform_indices = @transform_1, window_bounds = array<i64: 128, 128>}, {pipeline_mode = #tpu.pipeline_mode<synchronous>, transform_indices = @transform_2, window_bounds = array<i64: 1, 128>}, {transform_indices = @transform_3, window_bounds = array<i64: 2000, 128>}]} {
    %get3A = arith.constant 0 : index
    %get3A_0 = arith.constant 0 : index
    %get3A_1 = vector.load %arg1[%get3A, %get3A_0] : memref<2000x128xf32, #tpu.memory_space<vmem>>, vector<2000x128xf32>
    %get3A_2 = arith.constant 0 : index
    %get3A_3 = arith.constant 0 : index
    %get3A_4 = vector.load %arg2[%get3A_2, %get3A_3] : memref<128x128xf32, #tpu.memory_space<vmem>>, vector<128x128xf32>
    %dot_general3A = arith.constant dense<0.000000e+00> : vector<2000x128xf32>
    %dot_general3A_5 = tpu.matmul %get3A_1, %get3A_4, %dot_general3A {dimension_numbers = #tpu.dot_dimension_numbers<[1], [0], [0], [1], [0, 0, 1, 1], [], []>, transpose_lhs_hint = false} : vector<2000x128xf32>, vector<128x128xf32>, vector<2000x128xf32> -> vector<2000x128xf32>
    %get3A_6 = arith.constant 0 : index
    %get3A_7 = arith.constant 0 : index
    %get3A_8 = vector.load %arg3[%get3A_6, %get3A_7] : memref<1x128xf32, #tpu.memory_space<vmem>>, vector<1x128xf32>
    %add3A = vector.broadcast %get3A_8 : vector<1x128xf32> to vector<2000x128xf32>
    %add3A_9 = arith.addf %dot_general3A_5, %add3A : vector<2000x128xf32>
    %swap3A = arith.constant 0 : index
    %swap3A_10 = arith.constant 0 : index
    %swap3A_11 = vector.load %arg4[%swap3A, %swap3A_10] : memref<2000x128xf32, #tpu.memory_space<vmem>>, vector<2000x128xf32>
    tpu.vector_store %arg4[%swap3A, %swap3A_10], %add3A_9 {strides = array<i32>} : memref<2000x128xf32, #tpu.memory_space<vmem>>, vector<2000x128xf32>,
    return
  }
  func.func @transform_0(%arg0: i32) -> (i32, i32) {
    %c0_i32 = arith.constant 0 : i32
    %c0_i32_0 = arith.constant 0 : i32
    return %arg0, %c0_i32 : i32, i32
  }
  func.func @transform_1(%arg0: i32) -> (i32, i32) {
    %c0_i32 = arith.constant 0 : i32
    %c0_i32_0 = arith.constant 0 : i32
    %c0_i32_1 = arith.constant 0 : i32
    return %c0_i32, %c0_i32_0 : i32, i32
  }
  func.func @transform_2(%arg0: i32) -> (i32, i32) {
    %c0_i32 = arith.constant 0 : i32
    %c0_i32_0 = arith.constant 0 : i32
    %c0_i32_1 = arith.constant 0 : i32
    return %c0_i32, %c0_i32_0 : i32, i32
  }
  func.func @transform_3(%arg0: i32) -> (i32, i32) {
    %c0_i32 = arith.constant 0 : i32
    %c0_i32_0 = arith.constant 0 : i32
    return %arg0, %c0_i32 : i32, i32
  }
}

</mosaic_0001>

<sc_bundles>
// kernel: kernel.5.cloned.1.call-start
scs
__scs_entry_jumppad:
0x0: {  	(pc) =	sbr.rel $0x88, $3  }
0x1: {  	(tag) =	ssettag $0x0;
	lr =	simm.s32 $0x1  }
0x2: {  	[smem:$0x3F97] =	sst lr;
	_ =	strace $0xD0000000  }
0x3: {  	_ = 	snop  }
0x4: {  	_ = 	snop  }
0x5: {  	_ = 	snop  }
0x6: {  	_ = 	snop  }
0x7: {  	_ = 	snop  }
__scs_overlays_trampoline_lowered:
0x8: {  	[smem:$0x3FA6] =	sst s0  }
0x9: {  	[smem:$0x3FA7] =	sst s1  }
0xa: {  	[smem:$0x3FA8] =	sst s2  }
0xb: {  	[smem:$0x3FA9] =	sst s3  }
0xc: {  	[smem:$0x3FAA] =	sst s4  }
0xd: {  	[smem:$0x3FAB] =	sst s5  }
0xe: {  	[smem:$0x3FAC] =	sst s6  }
0xf: {  	[smem:$0x3FAD] =	sst s7  }
0x10: {  	[smem:$0x3FAE] =	sst s8  }
0x11: {  	[smem:$0x3FAF] =	sst s9;
	s0 =	simm.s32 @!p0 $0x0  }
0x12: {  	s1 =	sld [smem:$0x3F95];
	s0 =	simm.s32 @p0 $0x1  }
0x13: {  	[smem:$0x3FB0] =	sst s0;
	s0 =	simm.s32 @!p1 $0x0  }
0x14: {  	s2 =	sld [smem:$0x3F94];
	s0 =	simm.s32 @p1 $0x1  }
0x15: {  	[smem:$0x3FB1] =	sst s0;
	s0 =	simm.s32 @!p2 $0x0  }
0x16: {  	s3 =	sld [smem:$0x3FDB];
	s0 =	simm.s32 @p2 $0x1  }
0x17: {  	s4 =	simm.s32 $0x1BF5;
	[smem:$0x3FB3] =	sst s0  }
0x18: {  	s0 =	sld [smem:$0x3F96];
	_ =	swait.ge [sflag:s4], $0x0  }
0x19: {  	s7 =	sld [smem:$0x3F97]  }
0x1a: {  	s8 =	sadd.s32 $0xFFFFE003, lr  }
0x1b: {  	s9 =	sadd.s32 $0xFFFFFEF7, lr;
	s5 =	simm.s32 $0xFFFFFFFF;
	p2 =	slt.u32 s8, $0xFFFFF086  }
0x1c: {  	p1 =	slt.u32 s9, $0xF7A;
	s5 =	simm.s32 @!p2 $0x0  }
0x1d: {  	s5 =	simm.s32 @p1 $0x1;
	p0 =	seq.s32 s7, s2  }
0x1e: {  	s7 =	smul.u32 @!p0 $0xF7A, s2;
	p2 =	seq.s32 @!p0 s5, $0x0  }
0x1f: {  	s9 =	smul.u32 $0xF7A, s1;
	s8 =	simm.s32 @!p0 $0x1BF5;
	p2 =	por !p2, p0  }
0x20: {  	[sflag:s8] =	ssyncset.s32 @!p0 $0xFFFFF086;
	s6 =	sadd.s32 @!p0 s3, s7;
	s7 =	simm.s32 @!p0 $0x108  }
0x21: {  	s3 =	sadd.s32 s3, s9;
	s6 =	sadd.s32 @!p0 $0x88, s6;
	s7 =	simm.s32 @p2 $0x1082  }
0x22: {  	[simem:s7], [sflag:s8] =	dma.local @!p0 [hbm:s6], $0xF7A  }
0x23: {  	s9 =	sor.u32 $0xD0000000, s2;
	s6 =	simm.s32 $0x108;
	_ =	swait.ge @!p0 [sflag:s8], $0x0  }
0x24: {  	s3 =	sadd.s32 $0x88, s3;
	s6 =	simm.s32 @!p1 $0x1082;
	[sflag:s4] =	ssyncset.s32 $0xFFFFF086  }
0x25: {  	[simem:s6], [sflag:s4] =	dma.local [hbm:s3], $0xF7A  }
0x26: {  	[smem:$0x3F97] =	sst s1;
	(tag) =	ssettag s2;
	_ =	strace s9  }
0x27: {  	s1 =	sld [smem:$0x3FA7]  }
0x28: {  	s2 =	sld [smem:$0x3FA8]  }
0x29: {  	s4 =	sld [smem:$0x3FAA]  }
0x2a: {  	p0 =	seq.s32 s5, $0x0;
	s5 =	sld [smem:$0x3FAB]  }
0x2b: {  	s6 =	sld [smem:$0x3FAC]  }
0x2c: {  	s7 =	sld [smem:$0x3FAD]  }
0x2d: {  	s3 =	simm.s32 $0x108;
	s8 =	sld [smem:$0x3FAE]  }
0x2e: {  	s3 =	simm.s32 @!p0 $0x1082;
	s9 =	sld [smem:$0x3FAF]  }
0x2f: {  	lr =	sadd.s32 s0, s3;
	s0 =	sld [smem:$0x3FA6]  }
0x30: {  	s3 =	sld [smem:$0x3FA9]  }
0x31: {  	[smem:$0x3FB2] =	sst s10  }
0x32: {  	s10 =	sld [smem:$0x3FB0];
	_ =	sdelay $0x3  }
0x33: {  	p0 =	seq.s32 s10, $0x1;
	s10 =	sld [smem:$0x3FB2];
	_ =	sdelay $0x3  }
0x34: {  	[smem:$0x3FB2] =	sst s10  }
0x35: {  	s10 =	sld [smem:$0x3FB1];
	_ =	sdelay $0x3  }
0x36: {  	p1 =	seq.s32 s10, $0x1;
	s10 =	sld [smem:$0x3FB2];
	_ =	sdelay $0x3  }
0x37: {  	[smem:$0x3FB2] =	sst s10  }
0x38: {  	s10 =	sld [smem:$0x3FB3]  }
0x39: {  	_ = 	snop;
	(pc) =	sbr.ind lr, $3  }
0x3a: {  	_ = 	snop  }
0x3b: {  	_ = 	snop  }
0x3c: {  	p2 =	seq.s32 s10, $0x1;
	s10 =	sld [smem:$0x3FB2]  }
0x3d: {  	_ =	shalt  }
0x3e: {  	_ =	shalt  }
0x3f: {  	_ =	shalt  }
0x40: {  	_ =	shalt  }
0x41: {  	_ =	shalt  }
0x42: {  	_ =	shalt  }
0x43: {  	_ =	shalt  }
0x44: {  	_ =	shalt  }
0x45: {  	_ =	shalt  }
0x46: {  	_ =	shalt  }
0x47: {  	_ =	shalt  }
0x48: {  	_ =	shalt  }
0x49: {  	_ =	shalt  }
0x4a: {  	_ =	shalt  }
0x4b: {  	_ =	shalt  }
0x4c: {  	_ =	shalt  }
0x4d: {  	_ =	shalt  }
0x4e: {  	_ =	shalt  }
0x4f: {  	_ =	shalt  }
0x50: {  	_ =	shalt  }
0x51: {  	_ =	shalt  }
0x52: {  	_ =	shalt  }
0x53: {  	_ =	shalt  }
0x54: {  	_ =	shalt  }
0x55: {  	_ =	shalt  }
0x56: {  	_ =	shalt  }
0x57: {  	_ =	shalt  }
0x58: {  	_ =	shalt  }
0x59: {  	_ =	shalt  }
0x5a: {  	_ =	shalt  }
0x5b: {  	_ =	shalt  }
0x5c: {  	_ =	shalt  }
0x5d: {  	_ =	shalt  }
0x5e: {  	_ =	shalt  }
0x5f: {  	_ =	shalt  }
0x60: {  	_ =	shalt  }
0x61: {  	_ =	shalt  }
0x62: {  	_ =	shalt  }
0x63: {  	_ =	shalt  }
0x64: {  	_ =	shalt  }
0x65: {  	_ =	shalt  }
0x66: {  	_ =	shalt  }
0x67: {  	_ =	shalt  }
0x68: {  	_ =	shalt  }
0x69: {  	_ =	shalt  }
0x6a: {  	_ =	shalt  }
0x6b: {  	_ =	shalt  }
0x6c: {  	_ =	shalt  }
0x6d: {  	_ =	shalt  }
0x6e: {  	_ =	shalt  }
0x6f: {  	_ =	shalt  }
0x70: {  	_ =	shalt  }
0x71: {  	_ =	shalt  }
0x72: {  	_ =	shalt  }
0x73: {  	_ =	shalt  }
0x74: {  	_ =	shalt  }
0x75: {  	_ =	shalt  }
0x76: {  	_ =	shalt  }
0x77: {  	_ =	shalt  }
0x78: {  	_ =	shalt  }
0x79: {  	_ =	shalt  }
0x7a: {  	_ =	shalt  }
0x7b: {  	_ =	shalt  }
0x7c: {  	_ =	shalt  }
0x7d: {  	_ =	shalt  }
0x7e: {  	_ =	shalt  }
0x7f: {  	_ =	shalt  }
0x80: {  	_ =	shalt  }
0x81: {  	_ =	shalt  }
0x82: {  	_ =	shalt  }
0x83: {  	_ =	shalt  }
0x84: {  	_ =	shalt  }
0x85: {  	_ =	shalt  }
0x86: {  	_ =	shalt  }
0x87: {  	_ =	shalt  }
.Lfunc_end0:
.L_simem_size_0:
called_computation_lowered:
.L_overlay_start_0:
0x88: {  	s2 =	sld [smem:$0x3FD9]  }
0x89: {  	s3 =	sld [smem:$0x3FFE];
	_ =	sdelay $0x1  }
0x8a: {  	s1 =	srdreg.scid  }
0x8b: {  	s0 =	sand.u32 $0x1, s1  }
0x8c: {  	s17 =	sshll.u32 s0, $0xA;
	s2 =	sadd.s32 s3, s2  }
0x8d: {  	s2 =	sadd.s32 s2, s17  }
0x8e: {  	[smem:$0x3FBE] =	sst s2  }
0x8f: {  	_ = 	snop  }
0x90: {  	s2 =	sld [smem:$0x3FC8]  }
0x91: {  	s18 =	sld [smem:$0x3FC7]  }
0x92: {  	s4 =	sld [smem:$0x3FD0];
	(tm) =	ssettm $0x1  }
0x93: {  	s5 =	sld [smem:$0x3FFB];
	_ =	sdelay $0x3  }
0x94: {  	_ =	strace s5  }
0x95: {  	s5 =	sld [smem:$0x3FFC];
	_ =	sdelay $0x3  }
0x96: {  	_ =	strace s5  }
0x97: {  	s5 =	sld [smem:$0x3FFD];
	_ =	sdelay $0x3  }
0x98: {  	_ =	strace s5  }
0x99: {  	_ =	strace $0x8FFFFFFF  }
0x9a: {  	s19 =	sld [smem:$0x3FDB];
	_ =	sdelay $0x1  }
0x9b: {  	s6 =	simm.s32 $_scs_section_size  }
0x9c: {  	s7 =	simm.s32 $_size__tile_overlayer_lowered;
	s8 =	simm.s32 $_tile_overlayer_lowered  }
0x9d: {  	s22 =	simm.s32 $0x1BFF;
	s21 =	sshll.u32 s8, $0x1;
	s5 =	sadd.s32 s6, s19  }
0x9e: {  	s9 =	simm.s32 $0x0;
	s20 =	sshll.u32 s7, $0x1;
	s7 =	sadd.s32 s21, s5  }
0x9f: {  	[timem:s9], [sflag:s22] =	dma.local [hbm:s7], s20  }
0xa0: {  	_ =	swait.ge [sflag:s22], s20  }
0xa1: {  	s6 =	ssub.s32 $0x0, s20;
	[sflag:s22] =	ssyncset.done $0x0  }
0xa2: {  	[sflag:s22] =	ssyncadd.s32 s6;
	_ =	sdelay $0x1  }
0xa3: {  	s23 =	simm.s32 $0x1B8B  }
0xa4: {  	_ =	swait.ge [sflag:s23], $0x1  }
0xa5: {  	[sflag:s23] =	ssyncset.done $0x0  }
0xa6: {  	s25 =	simm.s32 $0x1B8E;
	s24 =	sld [smem:$0x3FFE];
	[sflag:s23] =	ssyncadd.s32 $0xFFFFFFFF  }
0xa7: {  	s26 =	simm.s32 $execute0_lowered;
	[smem:$0x3FD2] =	sst s25  }
0xa8: {  	s7 =	sshll.u32 s26, $0x1;
	_ =	strace $0x80000046;
	[dreg:$0x1] =	wrdreg $0xFFFFFFFF  }
0xa9: {  	s28 =	simm.s32 $_size_execute0_lowered;
	s5 =	sadd.s32 s5, s7;
	[dreg:$0x0] =	wrdreg $0x0  }
0xaa: {  	s7 =	sshll.u32 s28, $0x1;
	[dreg:$0x2] =	wrdreg s5  }
0xab: {  	[dreg:$0x3] =	wrdreg s7  }
0xac: {  	[dreg:$0x4] =	wrdreg $0xC0  }
0xad: {  	_ =	task [dreg:s9], $0x5FFFF  }
0xae: {  	[dreg:$0x1] =	wrdreg $0xFFFFFFFF  }
0xaf: {  	[dreg:$0x0] =	wrdreg $0x60  }
0xb0: {  	[dreg:$0x2] =	wrdreg s18  }
0xb1: {  	[dreg:$0x3] =	wrdreg s2  }
0xb2: {  	[dreg:$0x4] =	wrdreg s4  }
0xb3: {  	[dreg:$0x5] =	wrdreg s24  }
0xb4: {  	[dreg:$0x6] =	wrdreg $0x0  }
0xb5: {  	[dreg:$0x7] =	wrdreg $0x9  }
0xb6: {  	_ =	task.clear_ibuf [dreg:s9], $0x8FFFF;
	_ =	strace $0x90000046  }
0xb7: {  	s29 =	simm.s32 $0x9;
	_ =	strace $0x80000048  }
0xb8: {  	_ =	swait.ge [sflag:s29], $0x1  }
0xb9: {  	[sflag:s29] =	ssyncadd.s32 $0xFFFFFFFF  }
0xba: {  	_ =	strace $0x90000048  }
0xbb: {  	_ =	sfence  }
0xbc: {  	s30 =	sld [smem:$0x0];
	_ =	sdelay $0x2  }
0xbd: {  	s31 =	sshll.u32 s1, $0xD;
	s1 =	sshrl.u32 s1, $0x2  }
0xbe: {  	s3 =	sand.u32 $0x4000, s31;
	s1 =	sadd.s32 s1, s30  }
0xbf: {  	s0 =	sor.u32 s3, s0;
	s1 =	sshll.u32 s1, $0x11  }
0xc0: {  	s0 =	sor.u32 s1, s0  }
0xc1: {  	s0 =	sadd.s32 $0x8F2B, s0  }
0xc2: {  	[sflag:s0] =	ssyncadd.remote.s32 $0x1  }
0xc3: {  	_ =	sfence.sel $0xFFFF  }
0xc4: {  	[dreg:$0x0] =	wrdreg $0xFFFFFFFF;
	(pc) =	sbr.abs _section_cstart, $3  }
0xc5: {  	[dreg:$0x1] =	wrdreg $0xFFFFFFFF  }
0xc6: {  	_ =	task.clear_ibuf [dreg:s9], $0x2FFFF;
	_ =	strace $0x9FFFFFFF  }
0xc7: {  	(tm) =	ssettm $0x7FFFFFFF  }
tec
execute0_lowered:
.L_overlay_start_1:
0x0: {  	(tag) =	ssettag $0x1  }
0x1: {  	s0 =	rddreg [dreg:$0x0]  }
0x2: {  	s1 =	rddreg [dreg:$0x1]  }
0x3: {  	s4 =	rddreg [dreg:$0x2]  }
0x4: {  	s5 =	rddreg [dreg:$0x3]  }
0x5: {  	s2 =	rddreg [dreg:$0x4];
	s3 =	simm.s32 $0x0;
	s6 =	srdreg.scid  }
0x6: {  	s31 =	simm.s32 $0x80;
	[smem:$0x7FF] =	sst s3;
	s3 =	stileid.u32  }
0x7: {  	s7 =	sadd.s32 $0x1600, s5;
	s6 =	sand.u32 $0x1, s6;
	s11 =	smul.u32 $0x4E000, s3  }
0x8: {  	s5 =	simm.s32 $0x4F;
	_ =	strace $0x80000047;
	s12 =	smul.u32 $0x2700, s3  }
0x9: {  	s8 =	ssub.s32 $0x2, s6;
	s16 =	sshll.u32 s6, $0x4;
	s17 =	smul.u32 $0x138800, s6  }
0xa: {  	s14 =	smul.u32 $0x13800, s3;
	s23 =	sshll.u32 s6, $0xF;
	s24 =	sshll.u32 s3, $0xB  }
0xb: {  	s26 =	sshll.u32 s6, $0xB;
	s28 =	sshll.u32 s3, $0x7;
	[dreg:$0x7] =	wrdreg s31  }
0xc: {  	s9 =	sshrl.u32 s8, $0x1;
	s10 =	sor.u32 s3, s16;
	s29 =	sor.u32 s28, s26  }
0xd: {  	p0 =	slt.u32 s10, $0x4;
	s8 =	ssub.s32 s8, s9;
	s13 =	sshll.u32 s10, $0xB  }
0xe: {  	s10 =	sshll.u32 s10, $0x5;
	s18 =	sshrl.u32 s11, $0x2;
	s19 =	sadd.s32 s4, s12  }
0xf: {  	s20 =	sadd.s32 s14, s17;
	s12 =	sadd.s32 $0x124800, s2;
	s4 =	sadd.s32 $0x24900, s4  }
0x10: {  	s22 =	sshrl.u32 s17, $0x3;
	s5 =	simm.s32 @!p0 $0x4E;
	[dreg:$0xb] =	wrdreg s19  }
0x11: {  	s13 =	sadd.s32 s0, s13;
	s10 =	sadd.s32 s1, s10;
	[dreg:$0xc] =	wrdreg s4  }
0x12: {  	s21 =	sshrl.u32 s20, $0x3;
	s0 =	sadd.s32 s23, s0;
	[dreg:$0x9] =	wrdreg s13  }
0x13: {  	s25 =	smax.u32 s8, $0x1;
	p0 =	seq.s32 s3, $0xF;
	[dreg:$0xa] =	wrdreg s10  }
0x14: {  	s19 =	simm.s32 $0x1;
	s4 =	sadd.s32 s7, s21;
	[dreg:$0xf] =	wrdreg s25  }
0x15: {  	s20 =	simm.s32 $0x2;
	s30 =	sshll.u32 s5, $0x10;
	[dreg:$0xd] =	wrdreg s4  }
0x16: {  	s0 =	sadd.s32 s24, s0;
	s6 =	sshrl.u32 @p0 s12, $0x3;
	[dreg:$0x8] =	wrdreg s30  }
0x17: {  	s10 =	sadd.s32 s18, s2;
	s0 =	sadd.s32 $0x10000, s0;
	[dreg:$0x11] =	wrdreg s6  }
0x18: {  	s21 =	simm.s32 $0x3;
	s8 =	sshrl.u32 @!p0 s10, $0x3;
	[dreg:$0x6] =	wrdreg s0  }
0x19: {  	s4 =	sadd.s32 s7, s22;
	s0 =	sor.u32 $0x1000, s29;
	[dreg:$0x12] =	wrdreg s8  }
0x1a: {  	s4 =	sadd.s32 $0x24900, s4;
	[dreg:$0x10] =	wrdreg s0;
	s0 =	sshll.u32 @!p0 s3, $0x6  }
0x1b: {  	s22 =	simm.s32 $0x0;
	[dreg:$0xe] =	wrdreg s4;
	s7 =	sor.u32 @!p0 $0x1C04, s0  }
.LBB2_1:
0x1c: {  	s3 =	simm.s32 $0x0;
	s0 =	rddreg [dreg:$0x9]  }
0x1d: {  	s4 =	simm.s32 $0x13880;
	s11 =	rddreg [dreg:$0xa];
	s12 =	simm.s32 $0x1F880  }
0x1e: {  	[tilespmem:s4], [sflag:$0x1] =	stream.linear.gather [hbm4b:s0+s3], $0x4000, $0x38;
	[tilespmem:$0x1FB80] =	vst v63  }
0x1f: {  	s24 =	simm.s32 @p0 $0x4;
	s4 =	simm.s32 @p0 $0x1FC4;
	s0 =	rddreg [dreg:$0xc]  }
0x20: {  	[tilespmem:s12], [sflag:$0x2] =	stream.linear.gather [hbm4b:s11+s3], $0x100, $0x38;
	[tilespmem:$0x1FB80] =	vst v63  }
0x21: {  	[spmem:s6], [sflag:s4] =	dma.local @p0 [hbm:s0], $0x2800  }
0x22: {  	_ =	swait.ge @p0 [sflag:s24], $0x2800  }
0x23: {  	[sflag:s24] =	ssyncset.done @p0 $0x0  }
0x24: {  	s23 =	simm.s32 @!p0 $0x4;
	s0 =	rddreg [dreg:$0xb];
	[sflag:s24] =	ssyncadd.s32 @p0 $0xFFFFD800  }
0x25: {  	[spmem:s8], [sflag:s7] =	dma.local @!p0 [hbm:s0], $0x2700  }
0x26: {  	_ =	swait.ge @!p0 [sflag:s23], $0x2700  }
0x27: {  	[sflag:s23] =	ssyncset.done @!p0 $0x0  }
0x28: {  	s18 =	smov.u32 s7;
	s28 =	simm.s32 $0x1F900;
	[sflag:s23] =	ssyncadd.s32 @!p0 $0xFFFFD900  }
0x29: {  	s26 =	simm.s32 $0x10000;
	s29 =	simm.s32 $0x1;
	[bflag:$0x0] =	sbarrier.arrive $0xFFFF  }
0x2a: {  	s30 =	simm.s32 $0x1FA80;
	s13 =	smulhi.u32 $0xAAAAAAAB, s19;
	_ =	swait.ge [sflag:s19], $0x4000  }
0x2b: {  	s31 =	simm.s32 $0x1FA00;
	p2 =	por $0x1, $0x1;
	[sflag:s19] =	ssyncset.done $0x0  }
0x2c: {  	s14 =	smulhi.u32 $0xAAAAAAAB, s3;
	s15 =	sshrl.u32 s13, $0x1;
	[sflag:s19] =	ssyncadd.s32 $0xFFFFC000  }
0x2d: {  	p1 =	sle.u32 s5, $0x1;
	s16 =	smul.u32 $0xFFFD0000, s15;
	_ =	swait.ge [sflag:s20], $0x100  }
0x2e: {  	s4 =	sshrl.u32 s14, $0x1;
	s14 =	smul.u32 $0xFFFFF400, s15;
	[sflag:s20] =	ssyncset.done $0x0  }
0x2f: {  	s6 =	simm.s32 @!p2 $0x3;
	s9 =	smul.u32 $0xFFFD0000, s4;
	[sflag:s20] =	ssyncadd.s32 $0xFFFFFF00  }
0x30: {  	s4 =	smul.u32 $0xFFFFF400, s4;
	s25 =	sshra.s32 s14, $0x2;
	_ =	swait.ge @!p2 [sflag:s6], $0x4000  }
0x31: {  	s17 =	sshra.s32 s9, $0x2;
	s11 =	rddreg [dreg:$0x8];
	[sflag:s6] =	ssyncset.done @!p2 $0x0  }
0x32: {  	s8 =	sshra.s32 s16, $0x2;
	[sflag:s6] =	ssyncadd.s32 @!p2 $0xFFFFC000;
	p2 =	sne.s32 s11, $0x10000  }
.Ltmp0:
0x33: {  	s0 =	simm.s32 $0x2;
	s8 =	sadd.s32 $0x17880, s8;
	(pc) =	sbr.rel @!p2 .LBB2_3-.Ltmp0, $4  }
0x34: {  	s7 =	sadd.s32 $0x0, s17;
	s9 =	sadd.s32 @!p1 $0x0, s8;
	s3 =	rddreg [dreg:$0x10]  }
0x35: {  	s8 =	sshra.s32 s4, $0x2;
	s10 =	rddreg [dreg:$0x6];
	s12 =	sshrl.u32 @!p1 s3, $0x2  }
0x36: {  	s6 =	rddreg [dreg:$0x7];
	s15 =	sadd.s32 @!p1 $0x0, s10;
	s10 =	simm.s32 @!p1 $0x0  }
0x37: {  	s4 =	sadd.s32 $0x1000, s3;
	s11 =	sadd.s32 @!p1 s1, s12;
	s12 =	sadd.s32 $0x1F980, s25  }
.LBB2_2:
0x38: {  	[tilespmem:s9], [sflag:$0x1] =	stream.linear.gather @!p1 [hbm4b:s15+s10], $0x4000, $0x38;
	[tilespmem:$0x1FB80] =	vst v63  }
0x39: {  	s15 =	smov.u32 s26;
	s3 =	smov.u32 s29  }
0x3a: {  	s14 =	smov.u32 s30;
	s26 =	sadd.s32 $0x10000, s26;
	s8 =	sadd.s32 s8, s28  }
0x3b: {  	s7 =	sadd.s32 $0x13880, s7;
	s28 =	smov.u32 s31;
	s29 =	sadd.s32 $0x1, s29  }
0x3c: {  	[tilespmem:s12], [sflag:$0x2] =	stream.linear.gather @!p1 [hbm4b:s11+s10], $0x100, $0x38;
	[tilespmem:$0x1FB80] =	vst v63  }
0x3d: {  	s30 =	sadd.s32 $0x100, s30;
	s31 =	sadd.s32 $0x100, s31;
	s9 =	smulhi.u32 $0xAAAAAAAB, s3  }
0x3e: {  	[spmem:s2] =	stream.indirect.scatter.add.f32 [tilespmem:s7], [sflag:$0x3], $0x80, s8, s6, $0xb8;
	[tilespmem:$0x1FB80] =	vst v63  }
0x3f: {  	s11 =	smov.u32 s0;
	s0 =	sadd.s32 $0x1, s0;
	_ =	swait.ge [sflag:s19], $0x4000  }
0x40: {  	s12 =	smulhi.u32 $0xAAAAAAAB, s11;
	s13 =	sadd.s32 $0xFFFFFFFF, s11;
	[sflag:s19] =	ssyncset.done $0x0  }
0x41: {  	s9 =	sshrl.u32 s9, $0x1;
	p1 =	sge.u32 s11, s5;
	[sflag:s19] =	ssyncadd.s32 $0xFFFFC000  }
0x42: {  	s7 =	sshra.s32 s15, $0x2;
	s8 =	sshrl.u32 s12, $0x1;
	_ =	swait.ge [sflag:s20], $0x100  }
0x43: {  	p2 =	slt.u32 s13, $0x2;
	s16 =	smul.u32 $0xFFFD0000, s8;
	[sflag:s20] =	ssyncset.done $0x0  }
0x44: {  	s6 =	simm.s32 @!p2 $0x3;
	s12 =	smul.u32 $0xFFFD0000, s9;
	[sflag:s20] =	ssyncadd.s32 $0xFFFFFF00  }
0x45: {  	s17 =	sshra.s32 s16, $0x2;
	s16 =	smul.u32 $0xFFFFF400, s9;
	_ =	swait.ge @!p2 [sflag:s6], $0x4000  }
0x46: {  	s10 =	sadd.s32 $0x17880, s17;
	s3 =	rddreg [dreg:$0x8];
	[sflag:s6] =	ssyncset.done @!p2 $0x0  }
0x47: {  	s17 =	smul.u32 $0xFFFFF400, s8;
	[sflag:s6] =	ssyncadd.s32 @!p2 $0xFFFFC000;
	p2 =	sne.s32 s3, s26  }
.Ltmp1:
0x48: {  	s25 =	sshrl.u32 @!p1 s4, $0x2;
	s12 =	sshra.s32 s12, $0x2;
	(pc) =	sbr.rel @p2 .LBB2_2-.Ltmp1, $4  }
0x49: {  	s13 =	sshra.s32 @!p1 s15, $0x2;
	s4 =	sadd.s32 $0x1000, s4;
	s7 =	sadd.s32 s7, s12  }
0x4a: {  	s9 =	sadd.s32 @!p1 s13, s10;
	s8 =	sshra.s32 s16, $0x2;
	s17 =	sshra.s32 s17, $0x2  }
0x4b: {  	s10 =	simm.s32 @!p1 $0x0;
	s11 =	rddreg [dreg:$0x6];
	s12 =	sadd.s32 s17, s14  }
0x4c: {  	s6 =	rddreg [dreg:$0x7];
	s15 =	sadd.s32 @!p1 s15, s11;
	s11 =	sadd.s32 @!p1 s1, s25  }
.LBB2_3:
0x4d: {  	[tilespmem:s9], [sflag:$0x1] =	stream.linear.gather @!p1 [hbm4b:s15+s10], $0x4000, $0x38;
	[tilespmem:$0x1FB80] =	vst v63  }
0x4e: {  	_ = 	snop  }
0x4f: {  	[tilespmem:s12], [sflag:$0x2] =	stream.linear.gather @!p1 [hbm4b:s11+s10], $0x100, $0x38;
	[tilespmem:$0x1FB80] =	vst v63  }
0x50: {  	s0 =	sadd.s32 s8, s28;
	s3 =	sadd.s32 $0x13880, s7  }
0x51: {  	[spmem:s2] =	stream.indirect.scatter.add.f32 [tilespmem:s3], [sflag:$0x3], $0x80, s0, s6, $0xb8;
	[tilespmem:$0x1FB80] =	vst v63  }
0x52: {  	_ =	swait.ge [sflag:s21], $0x4000  }
0x53: {  	[sflag:s21] =	ssyncset.done $0x0  }
0x54: {  	[sflag:s21] =	ssyncadd.s32 $0xFFFFC000  }
0x55: {  	_ =	swait.ge [sflag:s21], $0x4000  }
0x56: {  	[sflag:s21] =	ssyncset.done $0x0  }
0x57: {  	[sflag:s21] =	ssyncadd.s32 $0xFFFFC000  }
0x58: {  	[bflag:$0x0] =	sbarrier.arrive $0xFFFF  }
0x59: {  	s0 =	rddreg [dreg:$0xe]  }
0x5a: {  	s3 =	simm.s32 @p0 $0x1FC4;
	s6 =	rddreg [dreg:$0x11]  }
0x5b: {  	[hbm:s0], [sflag:s3] =	dma.local @p0 [spmem:s6], $0x2800  }
0x5c: {  	_ =	swait.ge @p0 [sflag:s24], $0x2800  }
0x5d: {  	[sflag:s24] =	ssyncset.done @p0 $0x0;
	s0 =	rddreg [dreg:$0xd]  }
0x5e: {  	s8 =	rddreg [dreg:$0x12];
	[sflag:s24] =	ssyncadd.s32 @p0 $0xFFFFD800  }
0x5f: {  	[hbm:s0], [sflag:s18] =	dma.local @!p0 [spmem:s8], $0x2700  }
0x60: {  	_ =	swait.ge @!p0 [sflag:s23], $0x2700  }
0x61: {  	s22 =	sadd.s32 $0x1, s22;
	s31 =	rddreg [dreg:$0xf]  }
0x62: {  	p1 =	sne.s32 s22, s31  }
.Ltmp2:
0x63: {  	_ = 	snop;
	(pc) =	sbr.rel @p1 .LBB2_1-.Ltmp2, $3  }
0x64: {  	_ =	sdelay $0x1  }
0x65: {  	[sflag:s23] =	ssyncset.done @!p0 $0x0  }
0x66: {  	s7 =	smov.u32 s18;
	[sflag:s23] =	ssyncadd.s32 @!p0 $0xFFFFD900  }
0x67: {  	_ =	sfence.sel $0x180000  }
0x68: {  	[bflag:$0x0] =	sbarrier.arrive $0xFFFF  }
0x69: {  	_ =	strace $0x90000047  }
0x6a: {  	s0 =	stileid.u32;
	[bflag:$0x2] =	sbarrier.arrive $0xFFFF  }
0x6b: {  	p0 =	sne.s32 s0, $0x0;
	s0 =	rddreg [dreg:$0x5]  }
0x6c: {  	s0 =	sadd.s32 @!p0 $0x100000, s0  }
0x6d: {  	[sflag:s0] =	ssyncadd.tile.s32 @!p0 $0x1;
	_ =	shalt  }
.Lfunc_end2:
_tile_overlayer_lowered:
.L_overlay_start_2:
0x6e: {  	(tag) =	ssettag $0x2  }
0x6f: {  	s0 =	rddreg [dreg:$0x0];
	s2 =	stileid.u32  }
0x70: {  	s1 =	rddreg [dreg:$0x1];
	p0 =	sne.s32 s2, $0x0  }
0x71: {  	s3 =	rddreg [dreg:$0x2];
	[bflag:$0x3] =	sbarrier.arrive $0xFFFF;
	s2 =	simm.s32 @!p0 $0x1C04  }
0x72: {  	[timem:s3], [sflag:s2] =	dma.local @!p0 [hbm:s0], s1  }
0x73: {  	s0 =	simm.s32 @!p0 $0x4  }
0x74: {  	_ =	swait.ge @!p0 [sflag:s0], s1  }
0x75: {  	s1 =	ssub.s32 @!p0 $0x0, s1;
	[sflag:s0] =	ssyncset.done @!p0 $0x0  }
0x76: {  	[sflag:s0] =	ssyncadd.s32 @!p0 s1  }
0x77: {  	[bflag:$0x3] =	sbarrier.arrive $0xFFFF  }
0x78: {  	_ =	shalt  }

</sc_bundles>
